<compile_context>
chip_gen: v7x
topology: tpu7x:2x2x1
jax: 0.10.2.dev20260603
libtpu: 0.0.44.dev20260713+nightly
codegen_flags: <defaults>
</compile_context>

<pallas_src>
import functools

import jax
import jax.numpy as jnp
from jax import lax
from jax.experimental import pallas as pl
from jax.experimental.pallas import tpu as pltpu
from jax.experimental.pallas import tpu_sc as plsc

N = 10000
F = 256
C = 16
G = 8
L = 12

NC = 2
NS = 16
NW = NC * NS
CHUNK = 128
NPAD = N + 16

ROWS_T = N // NS
ROWS_TP = NPAD // NS


def _mm_body(x_ref, w_ref, b_ref, o_ref):
    o_ref[...] = (
        jnp.dot(x_ref[...], w_ref[...], preferred_element_type=jnp.float32)
        + b_ref[...]
    )


def _dense1(x, W1, b1):
    return pl.pallas_call(
        _mm_body,
        grid=(10,),
        in_specs=[
            pl.BlockSpec((N // 10, F), lambda m: (m, 0)),
            pl.BlockSpec((F, C), lambda m: (0, 0)),
            pl.BlockSpec((1, C), lambda m: (0, 0)),
        ],
        out_specs=pl.BlockSpec((N // 10, C), lambda m: (m, 0)),
        out_shape=jax.ShapeDtypeStruct((N, C), jnp.float32),
    )(x, W1, b1.reshape(1, C))


def _sc_agg_body(nchunk, h_hbm, zeros_hbm, src_hbm, dst_hbm, out_hbm,
                 src_v, dst_v, rows_v, h_sp, acc_sp):
    c = lax.axis_index("c")
    s = lax.axis_index("s")
    wid = c * NS + s

    @pl.when(s == 0)
    def _():
        pltpu.sync_copy(h_hbm, h_sp)
        pltpu.sync_copy(zeros_hbm, acc_sp)

    pltpu.sync_copy(src_hbm.at[wid], src_v)
    pltpu.sync_copy(dst_hbm.at[wid], dst_v)
    plsc.subcore_barrier()

    def body(j, carry):
        pltpu.sync_copy(h_sp.at[src_v.at[j]], rows_v)
        pltpu.sync_copy(rows_v, acc_sp.at[dst_v.at[j]], add=True)
        return carry

    lax.fori_loop(0, nchunk, body, 0)
    plsc.subcore_barrier()

    @pl.when(s == 0)
    def _():
        pltpu.sync_copy(acc_sp.at[pl.ds(0, N)], out_hbm.at[c])


def _sc_agg(h, zeros, src_p, dst_p, nchunk):
    mesh = plsc.VectorSubcoreMesh(core_axis_name="c", subcore_axis_name="s")
    fn = pl.kernel(
        functools.partial(_sc_agg_body, nchunk),
        mesh=mesh,
        out_type=jax.ShapeDtypeStruct((NC, N, C), jnp.float32),
        scratch_types=[
            pltpu.VMEM((nchunk, CHUNK), jnp.int32),
            pltpu.VMEM((nchunk, CHUNK), jnp.int32),
            pltpu.VMEM((CHUNK, C), jnp.float32),
            pltpu.VMEM_SHARED((N, C), jnp.float32),
            pltpu.VMEM_SHARED((NPAD, C), jnp.float32),
        ],
        compiler_params=pltpu.CompilerParams(use_tc_tiling_on_sc=False),
    )
    return fn(h, zeros, src_p, dst_p)


def _bn_mm_body(p_ref, g_ref, be_ref, w_ref, b_ref, o_ref):
    agg = p_ref[0] + p_ref[1]
    mean = jnp.mean(agg, axis=0, keepdims=True)
    var = jnp.mean((agg - mean) ** 2, axis=0, keepdims=True)
    hn = (agg - mean) / jnp.sqrt(var + 1e-3) * g_ref[...] + be_ref[...]
    h = jnp.maximum(hn, 0.0)
    o_ref[...] = (
        jnp.dot(h, w_ref[...], preferred_element_type=jnp.float32) + b_ref[...]
    )


def _fuse_bn_mm(partial, gamma, beta, W2, b2):
    return pl.pallas_call(
        _bn_mm_body,
        out_shape=jax.ShapeDtypeStruct((N, C), jnp.float32),
    )(partial, gamma.reshape(1, C), beta.reshape(1, C), W2, b2.reshape(1, C))


def _bn_pool_body(p_ref, i_ref, g_ref, be_ref, w_ref, b_ref, o_ref):
    agg = p_ref[0] + p_ref[1]
    mean = jnp.mean(agg, axis=0, keepdims=True)
    var = jnp.mean((agg - mean) ** 2, axis=0, keepdims=True)
    hn = (agg - mean) / jnp.sqrt(var + 1e-3) * g_ref[...] + be_ref[...]
    h = jnp.maximum(hn, 0.0)
    gid = i_ref[...]
    pooled = jnp.concatenate(
        [
            jnp.sum(jnp.where(gid == g, h, 0.0), axis=0, keepdims=True)
            for g in range(G)
        ],
        axis=0,
    )
    z = jnp.dot(pooled, w_ref[...], preferred_element_type=jnp.float32) + b_ref[...]
    o_ref[...] = jax.nn.sigmoid(z)


def _fuse_bn_pool(partial, i2d, gamma, beta, Wd, bd):
    return pl.pallas_call(
        _bn_pool_body,
        out_shape=jax.ShapeDtypeStruct((G, L), jnp.float32),
    )(partial, i2d, gamma.reshape(1, C), beta.reshape(1, C), Wd,
      bd.reshape(1, L))


def kernel(x, edge_index, e, i, W1, b1, gamma1, beta1, W2, b2, gamma2, beta2,
           Wd, bd):
    del e
    E = edge_index.shape[1]
    nchunk = -(-E // (NW * CHUNK))
    e_pad = NW * nchunk * CHUNK
    src = edge_index[0].astype(jnp.int32)
    dst = edge_index[1].astype(jnp.int32)
    src_p = jnp.concatenate(
        [src, jnp.zeros((e_pad - E,), jnp.int32)]).reshape(NW, nchunk, CHUNK)
    dst_p = jnp.concatenate(
        [dst, jnp.full((e_pad - E,), N, jnp.int32)]).reshape(NW, nchunk, CHUNK)
    zeros = jnp.zeros((NPAD, C), jnp.float32)

    h1 = _dense1(x, W1, b1)
    p1 = _sc_agg(h1, zeros, src_p, dst_p, nchunk)
    h2 = _fuse_bn_mm(p1, gamma1, beta1, W2, b2)
    p2 = _sc_agg(h2, zeros, src_p, dst_p, nchunk)
    return _fuse_bn_pool(p2, i.astype(jnp.int32).reshape(N, 1), gamma2, beta2,
                         Wd, bd)

# --- scband reference (transcript-rebuilt; emitter-appended) ---
"""Pipeline reference for scband-eccmodel-49005576847637 (READ-ONLY COPY).

The authoritative reference and input builder live on the scoring server;
editing this copy changes nothing except your own understanding.
"""

import jax, jax.numpy as jnp
import numpy as np

N = 10000
E = 160000
F = 256
C = 16
DE = 16
G = 8
L = 12


def setup_inputs(seed: int = 0) -> dict:
    key = jax.random.key(seed)
    ks = jax.random.split(key, 14)
    inp = {}
    inp["x"] = jax.random.normal(ks[0], (N, F), dtype=jnp.float32)
    inp["edge_index"] = jax.random.randint(ks[1], (2, E), 0, N)
    inp["e"] = jax.random.normal(ks[2], (E, DE), dtype=jnp.float32)
    inp["i"] = jnp.sort(jax.random.randint(ks[3], (N,), 0, G))
    inp["W1"] = jax.random.normal(ks[4], (F, C), dtype=jnp.float32) * 0.05
    inp["b1"] = jnp.zeros((C,), dtype=jnp.float32)
    inp["gamma1"] = jnp.ones((C,), dtype=jnp.float32)
    inp["beta1"] = jnp.zeros((C,), dtype=jnp.float32)
    inp["W2"] = jax.random.normal(ks[5], (C, C), dtype=jnp.float32) * 0.05
    inp["b2"] = jnp.zeros((C,), dtype=jnp.float32)
    inp["gamma2"] = jnp.ones((C,), dtype=jnp.float32)
    inp["beta2"] = jnp.zeros((C,), dtype=jnp.float32)
    inp["Wd"] = jax.random.normal(ks[6], (C, L), dtype=jnp.float32) * 0.05
    inp["bd"] = jnp.zeros((L,), dtype=jnp.float32)
    return inp


def _general_conv(x, src, dst, W, b, gamma, beta):
    # Spektral GeneralConv: linear transform -> sum-aggregate over edges -> batch norm -> activation
    h = jnp.dot(x, W) + b
    msg = jnp.take(h, src, axis=0)
    agg = jax.ops.segment_sum(msg, dst, num_segments=N)
    mean = jnp.mean(agg, axis=0)
    var = jnp.var(agg, axis=0)
    hn = (agg - mean) / jnp.sqrt(var + 1e-3) * gamma + beta
    return jax.nn.relu(hn)


def reference(x, edge_index, e, i, W1, b1, gamma1, beta1, W2, b2, gamma2, beta2, Wd, bd):
    # ECCModel.call: ECC layer is constructed but unused in call; e (edge features) is unused.
    src = edge_index[0]
    dst = edge_index[1]
    h = _general_conv(x, src, dst, W1, b1, gamma1, beta1)
    h = _general_conv(h, src, dst, W2, b2, gamma2, beta2)
    pooled = jax.ops.segment_sum(h, i, num_segments=G)  # GlobalSumPool over graph index i
    out = jax.nn.sigmoid(jnp.dot(pooled, Wd) + bd)
    return out

if __name__ == "__main__":
    import jax
    _d = setup_inputs()
    print(jax.jit(kernel)(*tuple(_d.values())))

</pallas_src>

<mosaic_0001>
#map = affine_map<(d0, d1) -> (0, 0)>
#map1 = affine_map<(d0, d1) -> (0, 0, 0)>
module attributes {stable_mosaic.version = 14 : i64} {
  func.func @_sc_agg_body(%arg0: i32, %arg1: i32, %arg2: memref<10000x16xf32, #tpu.memory_space<hbm>>, %arg3: memref<10016x16xf32, #tpu.memory_space<hbm>>, %arg4: memref<32x40x128xi32, #tpu.memory_space<hbm>>, %arg5: memref<32x40x128xi32, #tpu.memory_space<hbm>>, %arg6: memref<2x10000x16xf32, #tpu.memory_space<hbm>>, %arg7: memref<40x128xi32, #tpu.memory_space<vmem>>, %arg8: memref<40x128xi32, #tpu.memory_space<vmem>>, %arg9: memref<128x16xf32, #tpu.memory_space<vmem>>, %arg10: memref<10000x16xf32, #tpu.memory_space<vmem_shared>>, %arg11: memref<10016x16xf32, #tpu.memory_space<vmem_shared>>) attributes {dimension_semantics = [#tpu.dimension_semantics<core_parallel>, #tpu.dimension_semantics<subcore_parallel>], iteration_bounds = array<i64: 2, 16>, scalar_prefetch = 0 : i64, scratch_operands = 5 : i64, tpu.core_type = #tpu.core_type<sc_vector_subcore>, window_params = [{transform_indices = #map}, {transform_indices = #map}, {transform_indices = #map1}, {transform_indices = #map1}, {transform_indices = #map1}]} {
    %mul3A = arith.constant 16 : i32
    %mul3A_0 = arith.muli %arg0, %mul3A : i32
    %add3A = arith.addi %mul3A_0, %arg1 : i32
    %eq3A = arith.constant 0 : i32
    %eq3A_1 = arith.cmpi eq, %arg1, %eq3A : i32
    %convert_element_type3A = arith.extui %eq3A_1 : i1 to i32
    %cond3A = arith.constant 0 : i32
    %cond3A_2 = arith.cmpi ne, %convert_element_type3A, %cond3A : i32
    scf.if %cond3A_2 {
      "tpu.region"() ({
        %run_scoped3A = tpu.sem_alloc : memref<!tpu.dma_semaphore, #tpu.memory_space<semaphore_mem>>
        tpu.enqueue_dma source(%arg2 : memref<10000x16xf32, #tpu.memory_space<hbm>>) target(%arg10 : memref<10000x16xf32, #tpu.memory_space<vmem_shared>>) target_semaphore(%run_scoped3A : memref<!tpu.dma_semaphore, #tpu.memory_space<semaphore_mem>>)
        tpu.wait_dma2 semaphore(%run_scoped3A : memref<!tpu.dma_semaphore, #tpu.memory_space<semaphore_mem>>) src(%arg2 : memref<10000x16xf32, #tpu.memory_space<hbm>>) dst(%arg10 : memref<10000x16xf32, #tpu.memory_space<vmem_shared>>)
        tpu.yield
      }) : () -> ()
      "tpu.region"() ({
        %run_scoped3A = tpu.sem_alloc : memref<!tpu.dma_semaphore, #tpu.memory_space<semaphore_mem>>
        tpu.enqueue_dma source(%arg3 : memref<10016x16xf32, #tpu.memory_space<hbm>>) target(%arg11 : memref<10016x16xf32, #tpu.memory_space<vmem_shared>>) target_semaphore(%run_scoped3A : memref<!tpu.dma_semaphore, #tpu.memory_space<semaphore_mem>>)
        tpu.wait_dma2 semaphore(%run_scoped3A : memref<!tpu.dma_semaphore, #tpu.memory_space<semaphore_mem>>) src(%arg3 : memref<10016x16xf32, #tpu.memory_space<hbm>>) dst(%arg11 : memref<10016x16xf32, #tpu.memory_space<vmem_shared>>)
        tpu.yield
      }) : () -> ()
    } else {
    }
    "tpu.region"() ({
      %run_scoped3A = tpu.sem_alloc : memref<!tpu.dma_semaphore, #tpu.memory_space<semaphore_mem>>
      %dma_start3A = arith.constant 0 : i32
      %dma_start3A_14 = arith.constant 0 : i32
      %dma_start3A_15 = tpu.memref_slice %arg4[%add3A, %dma_start3A, %dma_start3A_14] : memref<32x40x128xi32, #tpu.memory_space<hbm>> -> memref<1x40x128xi32, #tpu.memory_space<hbm>>
      %dma_start3A_16 = tpu.memref_squeeze %dma_start3A_15 : memref<1x40x128xi32, #tpu.memory_space<hbm>> -> memref<40x128xi32, #tpu.memory_space<hbm>>
      %dma_start3A_17 = arith.constant 0 : i32
      %dma_start3A_18 = arith.constant 0 : i32
      %dma_start3A_19 = tpu.memref_slice %arg4[%add3A, %dma_start3A_17, %dma_start3A_18] : memref<32x40x128xi32, #tpu.memory_space<hbm>> -> memref<1x40x128xi32, #tpu.memory_space<hbm>>
      %dma_start3A_20 = tpu.memref_squeeze %dma_start3A_19 : memref<1x40x128xi32, #tpu.memory_space<hbm>> -> memref<40x128xi32, #tpu.memory_space<hbm>>
      tpu.enqueue_dma source(%dma_start3A_20 : memref<40x128xi32, #tpu.memory_space<hbm>>) target(%arg7 : memref<40x128xi32, #tpu.memory_space<vmem>>) target_semaphore(%run_scoped3A : memref<!tpu.dma_semaphore, #tpu.memory_space<semaphore_mem>>)
      %dma_wait3A = arith.constant 0 : i32
      %dma_wait3A_21 = arith.constant 0 : i32
      %dma_wait3A_22 = tpu.memref_slice %arg4[%add3A, %dma_wait3A, %dma_wait3A_21] : memref<32x40x128xi32, #tpu.memory_space<hbm>> -> memref<1x40x128xi32, #tpu.memory_space<hbm>>
      %dma_wait3A_23 = tpu.memref_squeeze %dma_wait3A_22 : memref<1x40x128xi32, #tpu.memory_space<hbm>> -> memref<40x128xi32, #tpu.memory_space<hbm>>
      %dma_wait3A_24 = arith.constant 0 : i32
      %dma_wait3A_25 = arith.constant 0 : i32
      %dma_wait3A_26 = tpu.memref_slice %arg4[%add3A, %dma_wait3A_24, %dma_wait3A_25] : memref<32x40x128xi32, #tpu.memory_space<hbm>> -> memref<1x40x128xi32, #tpu.memory_space<hbm>>
      %dma_wait3A_27 = tpu.memref_squeeze %dma_wait3A_26 : memref<1x40x128xi32, #tpu.memory_space<hbm>> -> memref<40x128xi32, #tpu.memory_space<hbm>>
      tpu.wait_dma2 semaphore(%run_scoped3A : memref<!tpu.dma_semaphore, #tpu.memory_space<semaphore_mem>>) src(%dma_wait3A_27 : memref<40x128xi32, #tpu.memory_space<hbm>>) dst(%arg7 : memref<40x128xi32, #tpu.memory_space<vmem>>)
      tpu.yield
    }) : () -> ()
    "tpu.region"() ({
      %run_scoped3A = tpu.sem_alloc : memref<!tpu.dma_semaphore, #tpu.memory_space<semaphore_mem>>
      %dma_start3A = arith.constant 0 : i32
      %dma_start3A_14 = arith.constant 0 : i32
      %dma_start3A_15 = tpu.memref_slice %arg5[%add3A, %dma_start3A, %dma_start3A_14] : memref<32x40x128xi32, #tpu.memory_space<hbm>> -> memref<1x40x128xi32, #tpu.memory_space<hbm>>
      %dma_start3A_16 = tpu.memref_squeeze %dma_start3A_15 : memref<1x40x128xi32, #tpu.memory_space<hbm>> -> memref<40x128xi32, #tpu.memory_space<hbm>>
      %dma_start3A_17 = arith.constant 0 : i32
      %dma_start3A_18 = arith.constant 0 : i32
      %dma_start3A_19 = tpu.memref_slice %arg5[%add3A, %dma_start3A_17, %dma_start3A_18] : memref<32x40x128xi32, #tpu.memory_space<hbm>> -> memref<1x40x128xi32, #tpu.memory_space<hbm>>
      %dma_start3A_20 = tpu.memref_squeeze %dma_start3A_19 : memref<1x40x128xi32, #tpu.memory_space<hbm>> -> memref<40x128xi32, #tpu.memory_space<hbm>>
      tpu.enqueue_dma source(%dma_start3A_20 : memref<40x128xi32, #tpu.memory_space<hbm>>) target(%arg8 : memref<40x128xi32, #tpu.memory_space<vmem>>) target_semaphore(%run_scoped3A : memref<!tpu.dma_semaphore, #tpu.memory_space<semaphore_mem>>)
      %dma_wait3A = arith.constant 0 : i32
      %dma_wait3A_21 = arith.constant 0 : i32
      %dma_wait3A_22 = tpu.memref_slice %arg5[%add3A, %dma_wait3A, %dma_wait3A_21] : memref<32x40x128xi32, #tpu.memory_space<hbm>> -> memref<1x40x128xi32, #tpu.memory_space<hbm>>
      %dma_wait3A_23 = tpu.memref_squeeze %dma_wait3A_22 : memref<1x40x128xi32, #tpu.memory_space<hbm>> -> memref<40x128xi32, #tpu.memory_space<hbm>>
      %dma_wait3A_24 = arith.constant 0 : i32
      %dma_wait3A_25 = arith.constant 0 : i32
      %dma_wait3A_26 = tpu.memref_slice %arg5[%add3A, %dma_wait3A_24, %dma_wait3A_25] : memref<32x40x128xi32, #tpu.memory_space<hbm>> -> memref<1x40x128xi32, #tpu.memory_space<hbm>>
      %dma_wait3A_27 = tpu.memref_squeeze %dma_wait3A_26 : memref<1x40x128xi32, #tpu.memory_space<hbm>> -> memref<40x128xi32, #tpu.memory_space<hbm>>
      tpu.wait_dma2 semaphore(%run_scoped3A : memref<!tpu.dma_semaphore, #tpu.memory_space<semaphore_mem>>) src(%dma_wait3A_27 : memref<40x128xi32, #tpu.memory_space<hbm>>) dst(%arg8 : memref<40x128xi32, #tpu.memory_space<vmem>>)
      tpu.yield
    }) : () -> ()
    %barrier3A = arith.constant 0 : index
    tpu.barrier barrier_id(%barrier3A)
    %scan3A = arith.constant 0 : i32
    %scan3A_3 = arith.constant 0 : i32
    %scan3A_4 = arith.constant 40 : i32
    %scan3A_5 = arith.addi %scan3A_3, %scan3A_4 : i32
    %scan3A_6 = arith.constant 1 : i32
    scf.for %scan3A_14 = %scan3A_3 to %scan3A_5 step %scan3A_6  : i32 {
      "tpu.region"() ({
        %run_scoped3A = tpu.sem_alloc : memref<!tpu.dma_semaphore, #tpu.memory_space<semaphore_mem>>
        %dma_start3A = arith.constant 0 : i32
        %dma_start3A_15 = tpu.memref_slice %arg7[%scan3A_14, %dma_start3A] : memref<40x128xi32, #tpu.memory_space<vmem>> -> memref<1x128xi32, #tpu.memory_space<vmem>>
        %dma_start3A_16 = tpu.memref_squeeze %dma_start3A_15 : memref<1x128xi32, #tpu.memory_space<vmem>> -> memref<128xi32, #tpu.memory_space<vmem>>
        %dma_start3A_17 = arith.constant 0 : i32
        %dma_start3A_18 = arith.constant 0 : i32
        %dma_start3A_19 = tpu.memref_slice %arg10[%dma_start3A_17, %dma_start3A_18] : memref<10000x16xf32, #tpu.memory_space<vmem_shared>> -> memref<10000x16xf32, #tpu.memory_space<vmem_shared>>
        tpu.enqueue_indirect_dma source(%dma_start3A_19 : memref<10000x16xf32, #tpu.memory_space<vmem_shared>>) target(%arg9 : memref<128x16xf32, #tpu.memory_space<vmem>>) offsets(%dma_start3A_16 : memref<128xi32, #tpu.memory_space<vmem>>) semaphore(%run_scoped3A : memref<!tpu.dma_semaphore, #tpu.memory_space<semaphore_mem>>)
        %dma_wait3A = arith.constant 0 : i32
        %dma_wait3A_20 = tpu.memref_slice %arg7[%scan3A_14, %dma_wait3A] : memref<40x128xi32, #tpu.memory_space<vmem>> -> memref<1x128xi32, #tpu.memory_space<vmem>>
        %dma_wait3A_21 = tpu.memref_squeeze %dma_wait3A_20 : memref<1x128xi32, #tpu.memory_space<vmem>> -> memref<128xi32, #tpu.memory_space<vmem>>
        %dma_wait3A_22 = arith.constant 0 : i32
        %dma_wait3A_23 = arith.constant 0 : i32
        %dma_wait3A_24 = tpu.memref_slice %arg10[%dma_wait3A_22, %dma_wait3A_23] : memref<10000x16xf32, #tpu.memory_space<vmem_shared>> -> memref<10000x16xf32, #tpu.memory_space<vmem_shared>>
        tpu.wait_indirect_dma semaphore(%run_scoped3A : memref<!tpu.dma_semaphore, #tpu.memory_space<semaphore_mem>>) src(%dma_wait3A_24 : memref<10000x16xf32, #tpu.memory_space<vmem_shared>>) dst(%arg9 : memref<128x16xf32, #tpu.memory_space<vmem>>)
        tpu.yield
      }) : () -> ()
      "tpu.region"() ({
        %run_scoped3A = tpu.sem_alloc : memref<!tpu.dma_semaphore, #tpu.memory_space<semaphore_mem>>
        %dma_start3A = arith.constant 0 : i32
        %dma_start3A_15 = tpu.memref_slice %arg8[%scan3A_14, %dma_start3A] : memref<40x128xi32, #tpu.memory_space<vmem>> -> memref<1x128xi32, #tpu.memory_space<vmem>>
        %dma_start3A_16 = tpu.memref_squeeze %dma_start3A_15 : memref<1x128xi32, #tpu.memory_space<vmem>> -> memref<128xi32, #tpu.memory_space<vmem>>
        %dma_start3A_17 = arith.constant 0 : i32
        %dma_start3A_18 = arith.constant 0 : i32
        %dma_start3A_19 = tpu.memref_slice %arg11[%dma_start3A_17, %dma_start3A_18] : memref<10016x16xf32, #tpu.memory_space<vmem_shared>> -> memref<10016x16xf32, #tpu.memory_space<vmem_shared>>
        tpu.enqueue_indirect_dma source(%arg9 : memref<128x16xf32, #tpu.memory_space<vmem>>) target(%dma_start3A_19 : memref<10016x16xf32, #tpu.memory_space<vmem_shared>>) offsets(%dma_start3A_16 : memref<128xi32, #tpu.memory_space<vmem>>) semaphore(%run_scoped3A : memref<!tpu.dma_semaphore, #tpu.memory_space<semaphore_mem>>) {add = true}
        %dma_wait3A = arith.constant 0 : i32
        %dma_wait3A_20 = tpu.memref_slice %arg8[%scan3A_14, %dma_wait3A] : memref<40x128xi32, #tpu.memory_space<vmem>> -> memref<1x128xi32, #tpu.memory_space<vmem>>
        %dma_wait3A_21 = tpu.memref_squeeze %dma_wait3A_20 : memref<1x128xi32, #tpu.memory_space<vmem>> -> memref<128xi32, #tpu.memory_space<vmem>>
        %dma_wait3A_22 = arith.constant 0 : i32
        %dma_wait3A_23 = arith.constant 0 : i32
        %dma_wait3A_24 = tpu.memref_slice %arg11[%dma_wait3A_22, %dma_wait3A_23] : memref<10016x16xf32, #tpu.memory_space<vmem_shared>> -> memref<10016x16xf32, #tpu.memory_space<vmem_shared>>
        tpu.wait_indirect_dma semaphore(%run_scoped3A : memref<!tpu.dma_semaphore, #tpu.memory_space<semaphore_mem>>) src(%arg9 : memref<128x16xf32, #tpu.memory_space<vmem>>) dst(%dma_wait3A_24 : memref<10016x16xf32, #tpu.memory_space<vmem_shared>>)
        tpu.yield
      }) : () -> ()
    }
    %scan3A_7 = arith.constant 40 : i32
    %barrier3A_8 = arith.constant 0 : index
    tpu.barrier barrier_id(%barrier3A_8)
    %eq3A_9 = arith.constant 0 : i32
    %eq3A_10 = arith.cmpi eq, %arg1, %eq3A_9 : i32
    %convert_element_type3A_11 = arith.extui %eq3A_10 : i1 to i32
    %cond3A_12 = arith.constant 0 : i32
    %cond3A_13 = arith.cmpi ne, %convert_element_type3A_11, %cond3A_12 : i32
    scf.if %cond3A_13 {
      "tpu.region"() ({
        %run_scoped3A = tpu.sem_alloc : memref<!tpu.dma_semaphore, #tpu.memory_space<semaphore_mem>>
        %dma_start3A = arith.constant 0 : i32
        %dma_start3A_14 = arith.constant 0 : i32
        %dma_start3A_15 = tpu.memref_slice %arg6[%arg0, %dma_start3A, %dma_start3A_14] : memref<2x10000x16xf32, #tpu.memory_space<hbm>> -> memref<1x10000x16xf32, #tpu.memory_space<hbm>>
        %dma_start3A_16 = tpu.memref_squeeze %dma_start3A_15 : memref<1x10000x16xf32, #tpu.memory_space<hbm>> -> memref<10000x16xf32, #tpu.memory_space<hbm>>
        %dma_start3A_17 = arith.constant 0 : i32
        %dma_start3A_18 = arith.constant 0 : i32
        %dma_start3A_19 = tpu.memref_slice %arg11[%dma_start3A_17, %dma_start3A_18] : memref<10016x16xf32, #tpu.memory_space<vmem_shared>> -> memref<10000x16xf32, #tpu.memory_space<vmem_shared>>
        tpu.enqueue_dma source(%dma_start3A_19 : memref<10000x16xf32, #tpu.memory_space<vmem_shared>>) target(%dma_start3A_16 : memref<10000x16xf32, #tpu.memory_space<hbm>>) target_semaphore(%run_scoped3A : memref<!tpu.dma_semaphore, #tpu.memory_space<semaphore_mem>>)
        %dma_wait3A = arith.constant 0 : i32
        %dma_wait3A_20 = arith.constant 0 : i32
        %dma_wait3A_21 = tpu.memref_slice %arg6[%arg0, %dma_wait3A, %dma_wait3A_20] : memref<2x10000x16xf32, #tpu.memory_space<hbm>> -> memref<1x10000x16xf32, #tpu.memory_space<hbm>>
        %dma_wait3A_22 = tpu.memref_squeeze %dma_wait3A_21 : memref<1x10000x16xf32, #tpu.memory_space<hbm>> -> memref<10000x16xf32, #tpu.memory_space<hbm>>
        %dma_wait3A_23 = arith.constant 0 : i32
        %dma_wait3A_24 = arith.constant 0 : i32
        %dma_wait3A_25 = tpu.memref_slice %arg11[%dma_wait3A_23, %dma_wait3A_24] : memref<10016x16xf32, #tpu.memory_space<vmem_shared>> -> memref<10000x16xf32, #tpu.memory_space<vmem_shared>>
        tpu.wait_dma2 semaphore(%run_scoped3A : memref<!tpu.dma_semaphore, #tpu.memory_space<semaphore_mem>>) src(%dma_wait3A_25 : memref<10000x16xf32, #tpu.memory_space<vmem_shared>>) dst(%dma_wait3A_22 : memref<10000x16xf32, #tpu.memory_space<hbm>>)
        tpu.yield
      }) : () -> ()
    } else {
    }
    return
  }
}

#map = affine_map<(d0, d1) -> (0, 0)>
#map1 = affine_map<(d0, d1) -> (0, 0, 0)>
module attributes {stable_mosaic.version = 14 : i64} {
  func.func @_sc_agg_body(%arg0: i32, %arg1: i32, %arg2: memref<10000x16xf32, #tpu.memory_space<hbm>>, %arg3: memref<10016x16xf32, #tpu.memory_space<hbm>>, %arg4: memref<32x40x128xi32, #tpu.memory_space<hbm>>, %arg5: memref<32x40x128xi32, #tpu.memory_space<hbm>>, %arg6: memref<2x10000x16xf32, #tpu.memory_space<hbm>>, %arg7: memref<40x128xi32, #tpu.memory_space<vmem>>, %arg8: memref<40x128xi32, #tpu.memory_space<vmem>>, %arg9: memref<128x16xf32, #tpu.memory_space<vmem>>, %arg10: memref<10000x16xf32, #tpu.memory_space<vmem_shared>>, %arg11: memref<10016x16xf32, #tpu.memory_space<vmem_shared>>) attributes {dimension_semantics = [#tpu.dimension_semantics<core_parallel>, #tpu.dimension_semantics<subcore_parallel>], iteration_bounds = array<i64: 2, 16>, scalar_prefetch = 0 : i64, scratch_operands = 5 : i64, tpu.core_type = #tpu.core_type<sc_vector_subcore>, window_params = [{transform_indices = #map}, {transform_indices = #map}, {transform_indices = #map1}, {transform_indices = #map1}, {transform_indices = #map1}]} {
    %mul3A = arith.constant 16 : i32
    %mul3A_0 = arith.muli %arg0, %mul3A : i32
    %add3A = arith.addi %mul3A_0, %arg1 : i32
    %eq3A = arith.constant 0 : i32
    %eq3A_1 = arith.cmpi eq, %arg1, %eq3A : i32
    %convert_element_type3A = arith.extui %eq3A_1 : i1 to i32
    %cond3A = arith.constant 0 : i32
    %cond3A_2 = arith.cmpi ne, %convert_element_type3A, %cond3A : i32
    scf.if %cond3A_2 {
      "tpu.region"() ({
        %run_scoped3A = tpu.sem_alloc : memref<!tpu.dma_semaphore, #tpu.memory_space<semaphore_mem>>
        tpu.enqueue_dma source(%arg2 : memref<10000x16xf32, #tpu.memory_space<hbm>>) target(%arg10 : memref<10000x16xf32, #tpu.memory_space<vmem_shared>>) target_semaphore(%run_scoped3A : memref<!tpu.dma_semaphore, #tpu.memory_space<semaphore_mem>>)
        tpu.wait_dma2 semaphore(%run_scoped3A : memref<!tpu.dma_semaphore, #tpu.memory_space<semaphore_mem>>) src(%arg2 : memref<10000x16xf32, #tpu.memory_space<hbm>>) dst(%arg10 : memref<10000x16xf32, #tpu.memory_space<vmem_shared>>)
        tpu.yield
      }) : () -> ()
      "tpu.region"() ({
        %run_scoped3A = tpu.sem_alloc : memref<!tpu.dma_semaphore, #tpu.memory_space<semaphore_mem>>
        tpu.enqueue_dma source(%arg3 : memref<10016x16xf32, #tpu.memory_space<hbm>>) target(%arg11 : memref<10016x16xf32, #tpu.memory_space<vmem_shared>>) target_semaphore(%run_scoped3A : memref<!tpu.dma_semaphore, #tpu.memory_space<semaphore_mem>>)
        tpu.wait_dma2 semaphore(%run_scoped3A : memref<!tpu.dma_semaphore, #tpu.memory_space<semaphore_mem>>) src(%arg3 : memref<10016x16xf32, #tpu.memory_space<hbm>>) dst(%arg11 : memref<10016x16xf32, #tpu.memory_space<vmem_shared>>)
        tpu.yield
      }) : () -> ()
    } else {
    }
    "tpu.region"() ({
      %run_scoped3A = tpu.sem_alloc : memref<!tpu.dma_semaphore, #tpu.memory_space<semaphore_mem>>
      %dma_start3A = arith.constant 0 : i32
      %dma_start3A_14 = arith.constant 0 : i32
      %dma_start3A_15 = tpu.memref_slice %arg4[%add3A, %dma_start3A, %dma_start3A_14] : memref<32x40x128xi32, #tpu.memory_space<hbm>> -> memref<1x40x128xi32, #tpu.memory_space<hbm>>
      %dma_start3A_16 = tpu.memref_squeeze %dma_start3A_15 : memref<1x40x128xi32, #tpu.memory_space<hbm>> -> memref<40x128xi32, #tpu.memory_space<hbm>>
      %dma_start3A_17 = arith.constant 0 : i32
      %dma_start3A_18 = arith.constant 0 : i32
      %dma_start3A_19 = tpu.memref_slice %arg4[%add3A, %dma_start3A_17, %dma_start3A_18] : memref<32x40x128xi32, #tpu.memory_space<hbm>> -> memref<1x40x128xi32, #tpu.memory_space<hbm>>
      %dma_start3A_20 = tpu.memref_squeeze %dma_start3A_19 : memref<1x40x128xi32, #tpu.memory_space<hbm>> -> memref<40x128xi32, #tpu.memory_space<hbm>>
      tpu.enqueue_dma source(%dma_start3A_20 : memref<40x128xi32, #tpu.memory_space<hbm>>) target(%arg7 : memref<40x128xi32, #tpu.memory_space<vmem>>) target_semaphore(%run_scoped3A : memref<!tpu.dma_semaphore, #tpu.memory_space<semaphore_mem>>)
      %dma_wait3A = arith.constant 0 : i32
      %dma_wait3A_21 = arith.constant 0 : i32
      %dma_wait3A_22 = tpu.memref_slice %arg4[%add3A, %dma_wait3A, %dma_wait3A_21] : memref<32x40x128xi32, #tpu.memory_space<hbm>> -> memref<1x40x128xi32, #tpu.memory_space<hbm>>
      %dma_wait3A_23 = tpu.memref_squeeze %dma_wait3A_22 : memref<1x40x128xi32, #tpu.memory_space<hbm>> -> memref<40x128xi32, #tpu.memory_space<hbm>>
      %dma_wait3A_24 = arith.constant 0 : i32
      %dma_wait3A_25 = arith.constant 0 : i32
      %dma_wait3A_26 = tpu.memref_slice %arg4[%add3A, %dma_wait3A_24, %dma_wait3A_25] : memref<32x40x128xi32, #tpu.memory_space<hbm>> -> memref<1x40x128xi32, #tpu.memory_space<hbm>>
      %dma_wait3A_27 = tpu.memref_squeeze %dma_wait3A_26 : memref<1x40x128xi32, #tpu.memory_space<hbm>> -> memref<40x128xi32, #tpu.memory_space<hbm>>
      tpu.wait_dma2 semaphore(%run_scoped3A : memref<!tpu.dma_semaphore, #tpu.memory_space<semaphore_mem>>) src(%dma_wait3A_27 : memref<40x128xi32, #tpu.memory_space<hbm>>) dst(%arg7 : memref<40x128xi32, #tpu.memory_space<vmem>>)
      tpu.yield
    }) : () -> ()
    "tpu.region"() ({
      %run_scoped3A = tpu.sem_alloc : memref<!tpu.dma_semaphore, #tpu.memory_space<semaphore_mem>>
      %dma_start3A = arith.constant 0 : i32
      %dma_start3A_14 = arith.constant 0 : i32
      %dma_start3A_15 = tpu.memref_slice %arg5[%add3A, %dma_start3A, %dma_start3A_14] : memref<32x40x128xi32, #tpu.memory_space<hbm>> -> memref<1x40x128xi32, #tpu.memory_space<hbm>>
      %dma_start3A_16 = tpu.memref_squeeze %dma_start3A_15 : memref<1x40x128xi32, #tpu.memory_space<hbm>> -> memref<40x128xi32, #tpu.memory_space<hbm>>
      %dma_start3A_17 = arith.constant 0 : i32
      %dma_start3A_18 = arith.constant 0 : i32
      %dma_start3A_19 = tpu.memref_slice %arg5[%add3A, %dma_start3A_17, %dma_start3A_18] : memref<32x40x128xi32, #tpu.memory_space<hbm>> -> memref<1x40x128xi32, #tpu.memory_space<hbm>>
      %dma_start3A_20 = tpu.memref_squeeze %dma_start3A_19 : memref<1x40x128xi32, #tpu.memory_space<hbm>> -> memref<40x128xi32, #tpu.memory_space<hbm>>
      tpu.enqueue_dma source(%dma_start3A_20 : memref<40x128xi32, #tpu.memory_space<hbm>>) target(%arg8 : memref<40x128xi32, #tpu.memory_space<vmem>>) target_semaphore(%run_scoped3A : memref<!tpu.dma_semaphore, #tpu.memory_space<semaphore_mem>>)
      %dma_wait3A = arith.constant 0 : i32
      %dma_wait3A_21 = arith.constant 0 : i32
      %dma_wait3A_22 = tpu.memref_slice %arg5[%add3A, %dma_wait3A, %dma_wait3A_21] : memref<32x40x128xi32, #tpu.memory_space<hbm>> -> memref<1x40x128xi32, #tpu.memory_space<hbm>>
      %dma_wait3A_23 = tpu.memref_squeeze %dma_wait3A_22 : memref<1x40x128xi32, #tpu.memory_space<hbm>> -> memref<40x128xi32, #tpu.memory_space<hbm>>
      %dma_wait3A_24 = arith.constant 0 : i32
      %dma_wait3A_25 = arith.constant 0 : i32
      %dma_wait3A_26 = tpu.memref_slice %arg5[%add3A, %dma_wait3A_24, %dma_wait3A_25] : memref<32x40x128xi32, #tpu.memory_space<hbm>> -> memref<1x40x128xi32, #tpu.memory_space<hbm>>
      %dma_wait3A_27 = tpu.memref_squeeze %dma_wait3A_26 : memref<1x40x128xi32, #tpu.memory_space<hbm>> -> memref<40x128xi32, #tpu.memory_space<hbm>>
      tpu.wait_dma2 semaphore(%run_scoped3A : memref<!tpu.dma_semaphore, #tpu.memory_space<semaphore_mem>>) src(%dma_wait3A_27 : memref<40x128xi32, #tpu.memory_space<hbm>>) dst(%arg8 : memref<40x128xi32, #tpu.memory_space<vmem>>)
      tpu.yield
    }) : () -> ()
    %barrier3A = arith.constant 0 : index
    tpu.barrier barrier_id(%barrier3A)
    %scan3A = arith.constant 0 : i32
    %scan3A_3 = arith.constant 0 : i32
    %scan3A_4 = arith.constant 40 : i32
    %scan3A_5 = arith.addi %scan3A_3, %scan3A_4 : i32
    %scan3A_6 = arith.constant 1 : i32
    scf.for %scan3A_14 = %scan3A_3 to %scan3A_5 step %scan3A_6  : i32 {
      "tpu.region"() ({
        %run_scoped3A = tpu.sem_alloc : memref<!tpu.dma_semaphore, #tpu.memory_space<semaphore_mem>>
        %dma_start3A = arith.constant 0 : i32
        %dma_start3A_15 = tpu.memref_slice %arg7[%scan3A_14, %dma_start3A] : memref<40x128xi32, #tpu.memory_space<vmem>> -> memref<1x128xi32, #tpu.memory_space<vmem>>
        %dma_start3A_16 = tpu.memref_squeeze %dma_start3A_15 : memref<1x128xi32, #tpu.memory_space<vmem>> -> memref<128xi32, #tpu.memory_space<vmem>>
        %dma_start3A_17 = arith.constant 0 : i32
        %dma_start3A_18 = arith.constant 0 : i32
        %dma_start3A_19 = tpu.memref_slice %arg10[%dma_start3A_17, %dma_start3A_18] : memref<10000x16xf32, #tpu.memory_space<vmem_shared>> -> memref<10000x16xf32, #tpu.memory_space<vmem_shared>>
        tpu.enqueue_indirect_dma source(%dma_start3A_19 : memref<10000x16xf32, #tpu.memory_space<vmem_shared>>) target(%arg9 : memref<128x16xf32, #tpu.memory_space<vmem>>) offsets(%dma_start3A_16 : memref<128xi32, #tpu.memory_space<vmem>>) semaphore(%run_scoped3A : memref<!tpu.dma_semaphore, #tpu.memory_space<semaphore_mem>>)
        %dma_wait3A = arith.constant 0 : i32
        %dma_wait3A_20 = tpu.memref_slice %arg7[%scan3A_14, %dma_wait3A] : memref<40x128xi32, #tpu.memory_space<vmem>> -> memref<1x128xi32, #tpu.memory_space<vmem>>
        %dma_wait3A_21 = tpu.memref_squeeze %dma_wait3A_20 : memref<1x128xi32, #tpu.memory_space<vmem>> -> memref<128xi32, #tpu.memory_space<vmem>>
        %dma_wait3A_22 = arith.constant 0 : i32
        %dma_wait3A_23 = arith.constant 0 : i32
        %dma_wait3A_24 = tpu.memref_slice %arg10[%dma_wait3A_22, %dma_wait3A_23] : memref<10000x16xf32, #tpu.memory_space<vmem_shared>> -> memref<10000x16xf32, #tpu.memory_space<vmem_shared>>
        tpu.wait_indirect_dma semaphore(%run_scoped3A : memref<!tpu.dma_semaphore, #tpu.memory_space<semaphore_mem>>) src(%dma_wait3A_24 : memref<10000x16xf32, #tpu.memory_space<vmem_shared>>) dst(%arg9 : memref<128x16xf32, #tpu.memory_space<vmem>>)
        tpu.yield
      }) : () -> ()
      "tpu.region"() ({
        %run_scoped3A = tpu.sem_alloc : memref<!tpu.dma_semaphore, #tpu.memory_space<semaphore_mem>>
        %dma_start3A = arith.constant 0 : i32
        %dma_start3A_15 = tpu.memref_slice %arg8[%scan3A_14, %dma_start3A] : memref<40x128xi32, #tpu.memory_space<vmem>> -> memref<1x128xi32, #tpu.memory_space<vmem>>
        %dma_start3A_16 = tpu.memref_squeeze %dma_start3A_15 : memref<1x128xi32, #tpu.memory_space<vmem>> -> memref<128xi32, #tpu.memory_space<vmem>>
        %dma_start3A_17 = arith.constant 0 : i32
        %dma_start3A_18 = arith.constant 0 : i32
        %dma_start3A_19 = tpu.memref_slice %arg11[%dma_start3A_17, %dma_start3A_18] : memref<10016x16xf32, #tpu.memory_space<vmem_shared>> -> memref<10016x16xf32, #tpu.memory_space<vmem_shared>>
        tpu.enqueue_indirect_dma source(%arg9 : memref<128x16xf32, #tpu.memory_space<vmem>>) target(%dma_start3A_19 : memref<10016x16xf32, #tpu.memory_space<vmem_shared>>) offsets(%dma_start3A_16 : memref<128xi32, #tpu.memory_space<vmem>>) semaphore(%run_scoped3A : memref<!tpu.dma_semaphore, #tpu.memory_space<semaphore_mem>>) {add = true}
        %dma_wait3A = arith.constant 0 : i32
        %dma_wait3A_20 = tpu.memref_slice %arg8[%scan3A_14, %dma_wait3A] : memref<40x128xi32, #tpu.memory_space<vmem>> -> memref<1x128xi32, #tpu.memory_space<vmem>>
        %dma_wait3A_21 = tpu.memref_squeeze %dma_wait3A_20 : memref<1x128xi32, #tpu.memory_space<vmem>> -> memref<128xi32, #tpu.memory_space<vmem>>
        %dma_wait3A_22 = arith.constant 0 : i32
        %dma_wait3A_23 = arith.constant 0 : i32
        %dma_wait3A_24 = tpu.memref_slice %arg11[%dma_wait3A_22, %dma_wait3A_23] : memref<10016x16xf32, #tpu.memory_space<vmem_shared>> -> memref<10016x16xf32, #tpu.memory_space<vmem_shared>>
        tpu.wait_indirect_dma semaphore(%run_scoped3A : memref<!tpu.dma_semaphore, #tpu.memory_space<semaphore_mem>>) src(%arg9 : memref<128x16xf32, #tpu.memory_space<vmem>>) dst(%dma_wait3A_24 : memref<10016x16xf32, #tpu.memory_space<vmem_shared>>)
        tpu.yield
      }) : () -> ()
    }
    %scan3A_7 = arith.constant 40 : i32
    %barrier3A_8 = arith.constant 0 : index
    tpu.barrier barrier_id(%barrier3A_8)
    %eq3A_9 = arith.constant 0 : i32
    %eq3A_10 = arith.cmpi eq, %arg1, %eq3A_9 : i32
    %convert_element_type3A_11 = arith.extui %eq3A_10 : i1 to i32
    %cond3A_12 = arith.constant 0 : i32
    %cond3A_13 = arith.cmpi ne, %convert_element_type3A_11, %cond3A_12 : i32
    scf.if %cond3A_13 {
      "tpu.region"() ({
        %run_scoped3A = tpu.sem_alloc : memref<!tpu.dma_semaphore, #tpu.memory_space<semaphore_mem>>
        %dma_start3A = arith.constant 0 : i32
        %dma_start3A_14 = arith.constant 0 : i32
        %dma_start3A_15 = tpu.memref_slice %arg6[%arg0, %dma_start3A, %dma_start3A_14] : memref<2x10000x16xf32, #tpu.memory_space<hbm>> -> memref<1x10000x16xf32, #tpu.memory_space<hbm>>
        %dma_start3A_16 = tpu.memref_squeeze %dma_start3A_15 : memref<1x10000x16xf32, #tpu.memory_space<hbm>> -> memref<10000x16xf32, #tpu.memory_space<hbm>>
        %dma_start3A_17 = arith.constant 0 : i32
        %dma_start3A_18 = arith.constant 0 : i32
        %dma_start3A_19 = tpu.memref_slice %arg11[%dma_start3A_17, %dma_start3A_18] : memref<10016x16xf32, #tpu.memory_space<vmem_shared>> -> memref<10000x16xf32, #tpu.memory_space<vmem_shared>>
        tpu.enqueue_dma source(%dma_start3A_19 : memref<10000x16xf32, #tpu.memory_space<vmem_shared>>) target(%dma_start3A_16 : memref<10000x16xf32, #tpu.memory_space<hbm>>) target_semaphore(%run_scoped3A : memref<!tpu.dma_semaphore, #tpu.memory_space<semaphore_mem>>)
        %dma_wait3A = arith.constant 0 : i32
        %dma_wait3A_20 = arith.constant 0 : i32
        %dma_wait3A_21 = tpu.memref_slice %arg6[%arg0, %dma_wait3A, %dma_wait3A_20] : memref<2x10000x16xf32, #tpu.memory_space<hbm>> -> memref<1x10000x16xf32, #tpu.memory_space<hbm>>
        %dma_wait3A_22 = tpu.memref_squeeze %dma_wait3A_21 : memref<1x10000x16xf32, #tpu.memory_space<hbm>> -> memref<10000x16xf32, #tpu.memory_space<hbm>>
        %dma_wait3A_23 = arith.constant 0 : i32
        %dma_wait3A_24 = arith.constant 0 : i32
        %dma_wait3A_25 = tpu.memref_slice %arg11[%dma_wait3A_23, %dma_wait3A_24] : memref<10016x16xf32, #tpu.memory_space<vmem_shared>> -> memref<10000x16xf32, #tpu.memory_space<vmem_shared>>
        tpu.wait_dma2 semaphore(%run_scoped3A : memref<!tpu.dma_semaphore, #tpu.memory_space<semaphore_mem>>) src(%dma_wait3A_25 : memref<10000x16xf32, #tpu.memory_space<vmem_shared>>) dst(%dma_wait3A_22 : memref<10000x16xf32, #tpu.memory_space<hbm>>)
        tpu.yield
      }) : () -> ()
    } else {
    }
    return
  }
}

module attributes {stable_mosaic.version = 14 : i64} {
  func.func @_mm_body(%arg0: i32, %arg1: memref<1000x256xf32, #tpu.memory_space<vmem>>, %arg2: memref<256x16xf32, #tpu.memory_space<vmem>>, %arg3: memref<1x16xf32, #tpu.memory_space<vmem>>, %arg4: memref<1000x16xf32, #tpu.memory_space<vmem>>) attributes {dimension_semantics = [#tpu.dimension_semantics<arbitrary>], iteration_bounds = array<i64: 10>, scalar_prefetch = 0 : i64, scratch_operands = 0 : i64, tpu.core_type = #tpu.core_type<tc>, window_params = [{transform_indices = @transform_0, window_bounds = array<i64: 1000, 256>}, {pipeline_mode = #tpu.pipeline_mode<synchronous>, transform_indices = @transform_1, window_bounds = array<i64: 256, 16>}, {pipeline_mode = #tpu.pipeline_mode<synchronous>, transform_indices = @transform_2, window_bounds = array<i64: 1, 16>}, {transform_indices = @transform_3, window_bounds = array<i64: 1000, 16>}]} {
    %get3A = arith.constant 0 : index
    %get3A_0 = arith.constant 0 : index
    %get3A_1 = vector.load %arg1[%get3A, %get3A_0] : memref<1000x256xf32, #tpu.memory_space<vmem>>, vector<1000x256xf32>
    %get3A_2 = arith.constant 0 : index
    %get3A_3 = arith.constant 0 : index
    %get3A_4 = vector.load %arg2[%get3A_2, %get3A_3] : memref<256x16xf32, #tpu.memory_space<vmem>>, vector<256x16xf32>
    %dot_general3A = arith.constant dense<0.000000e+00> : vector<1000x16xf32>
    %dot_general3A_5 = tpu.matmul %get3A_1, %get3A_4, %dot_general3A {dimension_numbers = #tpu.dot_dimension_numbers<[1], [0], [0], [1], [0, 0, 1, 1], [], []>, transpose_lhs_hint = false} : vector<1000x256xf32>, vector<256x16xf32>, vector<1000x16xf32> -> vector<1000x16xf32>
    %get3A_6 = arith.constant 0 : index
    %get3A_7 = arith.constant 0 : index
    %get3A_8 = vector.load %arg3[%get3A_6, %get3A_7] : memref<1x16xf32, #tpu.memory_space<vmem>>, vector<1x16xf32>
    %add3A = vector.broadcast %get3A_8 : vector<1x16xf32> to vector<1000x16xf32>
    %add3A_9 = arith.addf %dot_general3A_5, %add3A : vector<1000x16xf32>
    %swap3A = arith.constant 0 : index
    %swap3A_10 = arith.constant 0 : index
    %swap3A_11 = vector.load %arg4[%swap3A, %swap3A_10] : memref<1000x16xf32, #tpu.memory_space<vmem>>, vector<1000x16xf32>
    tpu.vector_store %arg4[%swap3A, %swap3A_10], %add3A_9 {strides = array<i32>} : memref<1000x16xf32, #tpu.memory_space<vmem>>, vector<1000x16xf32>,
    return
  }
  func.func @transform_0(%arg0: i32) -> (i32, i32) {
    %c0_i32 = arith.constant 0 : i32
    %c0_i32_0 = arith.constant 0 : i32
    return %arg0, %c0_i32 : i32, i32
  }
  func.func @transform_1(%arg0: i32) -> (i32, i32) {
    %c0_i32 = arith.constant 0 : i32
    %c0_i32_0 = arith.constant 0 : i32
    %c0_i32_1 = arith.constant 0 : i32
    return %c0_i32, %c0_i32_0 : i32, i32
  }
  func.func @transform_2(%arg0: i32) -> (i32, i32) {
    %c0_i32 = arith.constant 0 : i32
    %c0_i32_0 = arith.constant 0 : i32
    %c0_i32_1 = arith.constant 0 : i32
    return %c0_i32, %c0_i32_0 : i32, i32
  }
  func.func @transform_3(%arg0: i32) -> (i32, i32) {
    %c0_i32 = arith.constant 0 : i32
    %c0_i32_0 = arith.constant 0 : i32
    return %arg0, %c0_i32 : i32, i32
  }
}

module attributes {stable_mosaic.version = 14 : i64} {
  func.func @_bn_mm_body(%arg0: memref<2x10000x16xf32, #tpu.memory_space<vmem>>, %arg1: memref<1x16xf32, #tpu.memory_space<vmem>>, %arg2: memref<1x16xf32, #tpu.memory_space<vmem>>, %arg3: memref<16x16xf32, #tpu.memory_space<vmem>>, %arg4: memref<1x16xf32, #tpu.memory_space<vmem>>, %arg5: memref<10000x16xf32, #tpu.memory_space<vmem>>) attributes {dimension_semantics = [], scalar_prefetch = 0 : i64, scratch_operands = 0 : i64, tpu.core_type = #tpu.core_type<tc>} {
    %get3A = arith.constant 0 : index
    %get3A_0 = arith.constant 0 : index
    %get3A_1 = arith.constant 0 : index
    %get3A_2 = vector.load %arg0[%get3A, %get3A_0, %get3A_1] : memref<2x10000x16xf32, #tpu.memory_space<vmem>>, vector<1x10000x16xf32>
    %get3A_3 = vector.shape_cast %get3A_2 : vector<1x10000x16xf32> to vector<10000x16xf32>
    %get3A_4 = arith.constant 1 : index
    %get3A_5 = arith.constant 0 : index
    %get3A_6 = arith.constant 0 : index
    %get3A_7 = vector.load %arg0[%get3A_4, %get3A_5, %get3A_6] : memref<2x10000x16xf32, #tpu.memory_space<vmem>>, vector<1x10000x16xf32>
    %get3A_8 = vector.shape_cast %get3A_7 : vector<1x10000x16xf32> to vector<10000x16xf32>
    %add3A = arith.addf %get3A_3, %get3A_8 : vector<10000x16xf32>
    %reduce_sum3A = arith.constant dense<0.000000e+00> : vector<16xf32>
    %reduce_sum3A_9 = vector.multi_reduction <add>, %add3A, %reduce_sum3A [0] : vector<10000x16xf32> to vector<16xf32>
    %broadcast_in_dim3A = vector.shape_cast %reduce_sum3A_9 : vector<16xf32> to vector<1x16xf32>
    %div3A = arith.constant 1.000000e+04 : f32
    %div3A_10 = vector.broadcast %div3A : f32 to vector<1x16xf32>
    %div3A_11 = arith.divf %broadcast_in_dim3A, %div3A_10 : vector<1x16xf32>
    %sub3A = vector.broadcast %div3A_11 : vector<1x16xf32> to vector<10000x16xf32>
    %sub3A_12 = arith.subf %add3A, %sub3A : vector<10000x16xf32>
    %integer_pow3A = arith.mulf %sub3A_12, %sub3A_12 : vector<10000x16xf32>
    %reduce_sum3A_13 = arith.constant dense<0.000000e+00> : vector<16xf32>
    %reduce_sum3A_14 = vector.multi_reduction <add>, %integer_pow3A, %reduce_sum3A_13 [0] : vector<10000x16xf32> to vector<16xf32>
    %broadcast_in_dim3A_15 = vector.shape_cast %reduce_sum3A_14 : vector<16xf32> to vector<1x16xf32>
    %div3A_16 = arith.constant 1.000000e+04 : f32
    %div3A_17 = vector.broadcast %div3A_16 : f32 to vector<1x16xf32>
    %div3A_18 = arith.divf %broadcast_in_dim3A_15, %div3A_17 : vector<1x16xf32>
    %sub3A_19 = vector.broadcast %div3A_11 : vector<1x16xf32> to vector<10000x16xf32>
    %sub3A_20 = arith.subf %add3A, %sub3A_19 : vector<10000x16xf32>
    %add3A_21 = arith.constant 1.000000e-03 : f32
    %add3A_22 = vector.broadcast %add3A_21 : f32 to vector<1x16xf32>
    %add3A_23 = arith.addf %div3A_18, %add3A_22 : vector<1x16xf32>
    %sqrt3A = math.sqrt %add3A_23 : vector<1x16xf32>
    %div3A_24 = vector.broadcast %sqrt3A : vector<1x16xf32> to vector<10000x16xf32>
    %div3A_25 = arith.divf %sub3A_20, %div3A_24 : vector<10000x16xf32>
    %get3A_26 = arith.constant 0 : index
    %get3A_27 = arith.constant 0 : index
    %get3A_28 = vector.load %arg1[%get3A_26, %get3A_27] : memref<1x16xf32, #tpu.memory_space<vmem>>, vector<1x16xf32>
    %mul3A = vector.broadcast %get3A_28 : vector<1x16xf32> to vector<10000x16xf32>
    %mul3A_29 = arith.mulf %div3A_25, %mul3A : vector<10000x16xf32>
    %get3A_30 = arith.constant 0 : index
    %get3A_31 = arith.constant 0 : index
    %get3A_32 = vector.load %arg2[%get3A_30, %get3A_31] : memref<1x16xf32, #tpu.memory_space<vmem>>, vector<1x16xf32>
    %add3A_33 = vector.broadcast %get3A_32 : vector<1x16xf32> to vector<10000x16xf32>
    %add3A_34 = arith.addf %mul3A_29, %add3A_33 : vector<10000x16xf32>
    %max3A = arith.constant 0.000000e+00 : f32
    %max3A_35 = vector.broadcast %max3A : f32 to vector<10000x16xf32>
    %max3A_36 = arith.maximumf %add3A_34, %max3A_35 : vector<10000x16xf32>
    %get3A_37 = arith.constant 0 : index
    %get3A_38 = arith.constant 0 : index
    %get3A_39 = vector.load %arg3[%get3A_37, %get3A_38] : memref<16x16xf32, #tpu.memory_space<vmem>>, vector<16x16xf32>
    %dot_general3A = arith.constant dense<0.000000e+00> : vector<10000x16xf32>
    %dot_general3A_40 = tpu.matmul %max3A_36, %get3A_39, %dot_general3A {dimension_numbers = #tpu.dot_dimension_numbers<[1], [0], [0], [1], [0, 0, 1, 1], [], []>, transpose_lhs_hint = false} : vector<10000x16xf32>, vector<16x16xf32>, vector<10000x16xf32> -> vector<10000x16xf32>
    %get3A_41 = arith.constant 0 : index
    %get3A_42 = arith.constant 0 : index
    %get3A_43 = vector.load %arg4[%get3A_41, %get3A_42] : memref<1x16xf32, #tpu.memory_space<vmem>>, vector<1x16xf32>
    %add3A_44 = vector.broadcast %get3A_43 : vector<1x16xf32> to vector<10000x16xf32>
    %add3A_45 = arith.addf %dot_general3A_40, %add3A_44 : vector<10000x16xf32>
    %swap3A = arith.constant 0 : index
    %swap3A_46 = arith.constant 0 : index
    %swap3A_47 = vector.load %arg5[%swap3A, %swap3A_46] : memref<10000x16xf32, #tpu.memory_space<vmem>>, vector<10000x16xf32>
    tpu.vector_store %arg5[%swap3A, %swap3A_46], %add3A_45 {strides = array<i32>} : memref<10000x16xf32, #tpu.memory_space<vmem>>, vector<10000x16xf32>,
    return
  }
}

module attributes {stable_mosaic.version = 14 : i64} {
  func.func @_bn_pool_body(%arg0: memref<2x10000x16xf32, #tpu.memory_space<vmem>>, %arg1: memref<10000x1xi32, #tpu.memory_space<vmem>>, %arg2: memref<1x16xf32, #tpu.memory_space<vmem>>, %arg3: memref<1x16xf32, #tpu.memory_space<vmem>>, %arg4: memref<16x12xf32, #tpu.memory_space<vmem>>, %arg5: memref<1x12xf32, #tpu.memory_space<vmem>>, %arg6: memref<8x12xf32, #tpu.memory_space<vmem>>) attributes {dimension_semantics = [], scalar_prefetch = 0 : i64, scratch_operands = 0 : i64, tpu.core_type = #tpu.core_type<tc>} {
    %get3A = arith.constant 0 : index
    %get3A_0 = arith.constant 0 : index
    %get3A_1 = arith.constant 0 : index
    %get3A_2 = vector.load %arg0[%get3A, %get3A_0, %get3A_1] : memref<2x10000x16xf32, #tpu.memory_space<vmem>>, vector<1x10000x16xf32>
    %get3A_3 = vector.shape_cast %get3A_2 : vector<1x10000x16xf32> to vector<10000x16xf32>
    %get3A_4 = arith.constant 1 : index
    %get3A_5 = arith.constant 0 : index
    %get3A_6 = arith.constant 0 : index
    %get3A_7 = vector.load %arg0[%get3A_4, %get3A_5, %get3A_6] : memref<2x10000x16xf32, #tpu.memory_space<vmem>>, vector<1x10000x16xf32>
    %get3A_8 = vector.shape_cast %get3A_7 : vector<1x10000x16xf32> to vector<10000x16xf32>
    %add3A = arith.addf %get3A_3, %get3A_8 : vector<10000x16xf32>
    %reduce_sum3A = arith.constant dense<0.000000e+00> : vector<16xf32>
    %reduce_sum3A_9 = vector.multi_reduction <add>, %add3A, %reduce_sum3A [0] : vector<10000x16xf32> to vector<16xf32>
    %broadcast_in_dim3A = vector.shape_cast %reduce_sum3A_9 : vector<16xf32> to vector<1x16xf32>
    %div3A = arith.constant 1.000000e+04 : f32
    %div3A_10 = vector.broadcast %div3A : f32 to vector<1x16xf32>
    %div3A_11 = arith.divf %broadcast_in_dim3A, %div3A_10 : vector<1x16xf32>
    %sub3A = vector.broadcast %div3A_11 : vector<1x16xf32> to vector<10000x16xf32>
    %sub3A_12 = arith.subf %add3A, %sub3A : vector<10000x16xf32>
    %integer_pow3A = arith.mulf %sub3A_12, %sub3A_12 : vector<10000x16xf32>
    %reduce_sum3A_13 = arith.constant dense<0.000000e+00> : vector<16xf32>
    %reduce_sum3A_14 = vector.multi_reduction <add>, %integer_pow3A, %reduce_sum3A_13 [0] : vector<10000x16xf32> to vector<16xf32>
    %broadcast_in_dim3A_15 = vector.shape_cast %reduce_sum3A_14 : vector<16xf32> to vector<1x16xf32>
    %div3A_16 = arith.constant 1.000000e+04 : f32
    %div3A_17 = vector.broadcast %div3A_16 : f32 to vector<1x16xf32>
    %div3A_18 = arith.divf %broadcast_in_dim3A_15, %div3A_17 : vector<1x16xf32>
    %sub3A_19 = vector.broadcast %div3A_11 : vector<1x16xf32> to vector<10000x16xf32>
    %sub3A_20 = arith.subf %add3A, %sub3A_19 : vector<10000x16xf32>
    %add3A_21 = arith.constant 1.000000e-03 : f32
    %add3A_22 = vector.broadcast %add3A_21 : f32 to vector<1x16xf32>
    %add3A_23 = arith.addf %div3A_18, %add3A_22 : vector<1x16xf32>
    %sqrt3A = math.sqrt %add3A_23 : vector<1x16xf32>
    %div3A_24 = vector.broadcast %sqrt3A : vector<1x16xf32> to vector<10000x16xf32>
    %div3A_25 = arith.divf %sub3A_20, %div3A_24 : vector<10000x16xf32>
    %get3A_26 = arith.constant 0 : index
    %get3A_27 = arith.constant 0 : index
    %get3A_28 = vector.load %arg2[%get3A_26, %get3A_27] : memref<1x16xf32, #tpu.memory_space<vmem>>, vector<1x16xf32>
    %mul3A = vector.broadcast %get3A_28 : vector<1x16xf32> to vector<10000x16xf32>
    %mul3A_29 = arith.mulf %div3A_25, %mul3A : vector<10000x16xf32>
    %get3A_30 = arith.constant 0 : index
    %get3A_31 = arith.constant 0 : index
    %get3A_32 = vector.load %arg3[%get3A_30, %get3A_31] : memref<1x16xf32, #tpu.memory_space<vmem>>, vector<1x16xf32>
    %add3A_33 = vector.broadcast %get3A_32 : vector<1x16xf32> to vector<10000x16xf32>
    %add3A_34 = arith.addf %mul3A_29, %add3A_33 : vector<10000x16xf32>
    %max3A = arith.constant 0.000000e+00 : f32
    %max3A_35 = vector.broadcast %max3A : f32 to vector<10000x16xf32>
    %max3A_36 = arith.maximumf %add3A_34, %max3A_35 : vector<10000x16xf32>
    %get3A_37 = arith.constant 0 : index
    %get3A_38 = arith.constant 0 : index
    %get3A_39 = vector.load %arg1[%get3A_37, %get3A_38] : memref<10000x1xi32, #tpu.memory_space<vmem>>, vector<10000x1xi32>
    %eq3A = arith.constant 0 : i32
    %eq3A_40 = vector.broadcast %eq3A : i32 to vector<10000x1xi32>
    %eq3A_41 = arith.cmpi eq, %get3A_39, %eq3A_40 : vector<10000x1xi32>
    %jit3A = arith.constant 0.000000e+00 : f32
    %broadcast_in_dim3A_42 = vector.shape_cast %eq3A_41 : vector<10000x1xi1> to vector<10000x1xi1>
    %broadcast_in_dim3A_43 = vector.broadcast %broadcast_in_dim3A_42 : vector<10000x1xi1> to vector<10000x16xi1>
    %broadcast_in_dim3A_44 = vector.broadcast %jit3A : f32 to vector<10000x16xf32>
    %select_n3A = arith.select %broadcast_in_dim3A_43, %max3A_36, %broadcast_in_dim3A_44 : vector<10000x16xi1>, vector<10000x16xf32>
    %reduce_sum3A_45 = arith.constant dense<0.000000e+00> : vector<16xf32>
    %reduce_sum3A_46 = vector.multi_reduction <add>, %select_n3A, %reduce_sum3A_45 [0] : vector<10000x16xf32> to vector<16xf32>
    %broadcast_in_dim3A_47 = vector.shape_cast %reduce_sum3A_46 : vector<16xf32> to vector<1x16xf32>
    %eq3A_48 = arith.constant 1 : i32
    %eq3A_49 = vector.broadcast %eq3A_48 : i32 to vector<10000x1xi32>
    %eq3A_50 = arith.cmpi eq, %get3A_39, %eq3A_49 : vector<10000x1xi32>
    %jit3A_51 = arith.constant 0.000000e+00 : f32
    %broadcast_in_dim3A_52 = vector.shape_cast %eq3A_50 : vector<10000x1xi1> to vector<10000x1xi1>
    %broadcast_in_dim3A_53 = vector.broadcast %broadcast_in_dim3A_52 : vector<10000x1xi1> to vector<10000x16xi1>
    %broadcast_in_dim3A_54 = vector.broadcast %jit3A_51 : f32 to vector<10000x16xf32>
    %select_n3A_55 = arith.select %broadcast_in_dim3A_53, %max3A_36, %broadcast_in_dim3A_54 : vector<10000x16xi1>, vector<10000x16xf32>
    %reduce_sum3A_56 = arith.constant dense<0.000000e+00> : vector<16xf32>
    %reduce_sum3A_57 = vector.multi_reduction <add>, %select_n3A_55, %reduce_sum3A_56 [0] : vector<10000x16xf32> to vector<16xf32>
    %broadcast_in_dim3A_58 = vector.shape_cast %reduce_sum3A_57 : vector<16xf32> to vector<1x16xf32>
    %eq3A_59 = arith.constant 2 : i32
    %eq3A_60 = vector.broadcast %eq3A_59 : i32 to vector<10000x1xi32>
    %eq3A_61 = arith.cmpi eq, %get3A_39, %eq3A_60 : vector<10000x1xi32>
    %jit3A_62 = arith.constant 0.000000e+00 : f32
    %broadcast_in_dim3A_63 = vector.shape_cast %eq3A_61 : vector<10000x1xi1> to vector<10000x1xi1>
    %broadcast_in_dim3A_64 = vector.broadcast %broadcast_in_dim3A_63 : vector<10000x1xi1> to vector<10000x16xi1>
    %broadcast_in_dim3A_65 = vector.broadcast %jit3A_62 : f32 to vector<10000x16xf32>
    %select_n3A_66 = arith.select %broadcast_in_dim3A_64, %max3A_36, %broadcast_in_dim3A_65 : vector<10000x16xi1>, vector<10000x16xf32>
    %reduce_sum3A_67 = arith.constant dense<0.000000e+00> : vector<16xf32>
    %reduce_sum3A_68 = vector.multi_reduction <add>, %select_n3A_66, %reduce_sum3A_67 [0] : vector<10000x16xf32> to vector<16xf32>
    %broadcast_in_dim3A_69 = vector.shape_cast %reduce_sum3A_68 : vector<16xf32> to vector<1x16xf32>
    %eq3A_70 = arith.constant 3 : i32
    %eq3A_71 = vector.broadcast %eq3A_70 : i32 to vector<10000x1xi32>
    %eq3A_72 = arith.cmpi eq, %get3A_39, %eq3A_71 : vector<10000x1xi32>
    %jit3A_73 = arith.constant 0.000000e+00 : f32
    %broadcast_in_dim3A_74 = vector.shape_cast %eq3A_72 : vector<10000x1xi1> to vector<10000x1xi1>
    %broadcast_in_dim3A_75 = vector.broadcast %broadcast_in_dim3A_74 : vector<10000x1xi1> to vector<10000x16xi1>
    %broadcast_in_dim3A_76 = vector.broadcast %jit3A_73 : f32 to vector<10000x16xf32>
    %select_n3A_77 = arith.select %broadcast_in_dim3A_75, %max3A_36, %broadcast_in_dim3A_76 : vector<10000x16xi1>, vector<10000x16xf32>
    %reduce_sum3A_78 = arith.constant dense<0.000000e+00> : vector<16xf32>
    %reduce_sum3A_79 = vector.multi_reduction <add>, %select_n3A_77, %reduce_sum3A_78 [0] : vector<10000x16xf32> to vector<16xf32>
    %broadcast_in_dim3A_80 = vector.shape_cast %reduce_sum3A_79 : vector<16xf32> to vector<1x16xf32>
    %eq3A_81 = arith.constant 4 : i32
    %eq3A_82 = vector.broadcast %eq3A_81 : i32 to vector<10000x1xi32>
    %eq3A_83 = arith.cmpi eq, %get3A_39, %eq3A_82 : vector<10000x1xi32>
    %jit3A_84 = arith.constant 0.000000e+00 : f32
    %broadcast_in_dim3A_85 = vector.shape_cast %eq3A_83 : vector<10000x1xi1> to vector<10000x1xi1>
    %broadcast_in_dim3A_86 = vector.broadcast %broadcast_in_dim3A_85 : vector<10000x1xi1> to vector<10000x16xi1>
    %broadcast_in_dim3A_87 = vector.broadcast %jit3A_84 : f32 to vector<10000x16xf32>
    %select_n3A_88 = arith.select %broadcast_in_dim3A_86, %max3A_36, %broadcast_in_dim3A_87 : vector<10000x16xi1>, vector<10000x16xf32>
    %reduce_sum3A_89 = arith.constant dense<0.000000e+00> : vector<16xf32>
    %reduce_sum3A_90 = vector.multi_reduction <add>, %select_n3A_88, %reduce_sum3A_89 [0] : vector<10000x16xf32> to vector<16xf32>
    %broadcast_in_dim3A_91 = vector.shape_cast %reduce_sum3A_90 : vector<16xf32> to vector<1x16xf32>
    %eq3A_92 = arith.constant 5 : i32
    %eq3A_93 = vector.broadcast %eq3A_92 : i32 to vector<10000x1xi32>
    %eq3A_94 = arith.cmpi eq, %get3A_39, %eq3A_93 : vector<10000x1xi32>
    %jit3A_95 = arith.constant 0.000000e+00 : f32
    %broadcast_in_dim3A_96 = vector.shape_cast %eq3A_94 : vector<10000x1xi1> to vector<10000x1xi1>
    %broadcast_in_dim3A_97 = vector.broadcast %broadcast_in_dim3A_96 : vector<10000x1xi1> to vector<10000x16xi1>
    %broadcast_in_dim3A_98 = vector.broadcast %jit3A_95 : f32 to vector<10000x16xf32>
    %select_n3A_99 = arith.select %broadcast_in_dim3A_97, %max3A_36, %broadcast_in_dim3A_98 : vector<10000x16xi1>, vector<10000x16xf32>
    %reduce_sum3A_100 = arith.constant dense<0.000000e+00> : vector<16xf32>
    %reduce_sum3A_101 = vector.multi_reduction <add>, %select_n3A_99, %reduce_sum3A_100 [0] : vector<10000x16xf32> to vector<16xf32>
    %broadcast_in_dim3A_102 = vector.shape_cast %reduce_sum3A_101 : vector<16xf32> to vector<1x16xf32>
    %eq3A_103 = arith.constant 6 : i32
    %eq3A_104 = vector.broadcast %eq3A_103 : i32 to vector<10000x1xi32>
    %eq3A_105 = arith.cmpi eq, %get3A_39, %eq3A_104 : vector<10000x1xi32>
    %jit3A_106 = arith.constant 0.000000e+00 : f32
    %broadcast_in_dim3A_107 = vector.shape_cast %eq3A_105 : vector<10000x1xi1> to vector<10000x1xi1>
    %broadcast_in_dim3A_108 = vector.broadcast %broadcast_in_dim3A_107 : vector<10000x1xi1> to vector<10000x16xi1>
    %broadcast_in_dim3A_109 = vector.broadcast %jit3A_106 : f32 to vector<10000x16xf32>
    %select_n3A_110 = arith.select %broadcast_in_dim3A_108, %max3A_36, %broadcast_in_dim3A_109 : vector<10000x16xi1>, vector<10000x16xf32>
    %reduce_sum3A_111 = arith.constant dense<0.000000e+00> : vector<16xf32>
    %reduce_sum3A_112 = vector.multi_reduction <add>, %select_n3A_110, %reduce_sum3A_111 [0] : vector<10000x16xf32> to vector<16xf32>
    %broadcast_in_dim3A_113 = vector.shape_cast %reduce_sum3A_112 : vector<16xf32> to vector<1x16xf32>
    %eq3A_114 = arith.constant 7 : i32
    %eq3A_115 = vector.broadcast %eq3A_114 : i32 to vector<10000x1xi32>
    %eq3A_116 = arith.cmpi eq, %get3A_39, %eq3A_115 : vector<10000x1xi32>
    %jit3A_117 = arith.constant 0.000000e+00 : f32
    %broadcast_in_dim3A_118 = vector.shape_cast %eq3A_116 : vector<10000x1xi1> to vector<10000x1xi1>
    %broadcast_in_dim3A_119 = vector.broadcast %broadcast_in_dim3A_118 : vector<10000x1xi1> to vector<10000x16xi1>
    %broadcast_in_dim3A_120 = vector.broadcast %jit3A_117 : f32 to vector<10000x16xf32>
    %select_n3A_121 = arith.select %broadcast_in_dim3A_119, %max3A_36, %broadcast_in_dim3A_120 : vector<10000x16xi1>, vector<10000x16xf32>
    %reduce_sum3A_122 = arith.constant dense<0.000000e+00> : vector<16xf32>
    %reduce_sum3A_123 = vector.multi_reduction <add>, %select_n3A_121, %reduce_sum3A_122 [0] : vector<10000x16xf32> to vector<16xf32>
    %broadcast_in_dim3A_124 = vector.shape_cast %reduce_sum3A_123 : vector<16xf32> to vector<1x16xf32>
    %concatenate3A = tpu.concatenate %broadcast_in_dim3A_47, %broadcast_in_dim3A_58, %broadcast_in_dim3A_69, %broadcast_in_dim3A_80, %broadcast_in_dim3A_91, %broadcast_in_dim3A_102, %broadcast_in_dim3A_113, %broadcast_in_dim3A_124 in 0 : vector<1x16xf32>, vector<1x16xf32>, vector<1x16xf32>, vector<1x16xf32>, vector<1x16xf32>, vector<1x16xf32>, vector<1x16xf32>, vector<1x16xf32> -> vector<8x16xf32>
    %get3A_125 = arith.constant 0 : index
    %get3A_126 = arith.constant 0 : index
    %get3A_127 = vector.load %arg4[%get3A_125, %get3A_126] : memref<16x12xf32, #tpu.memory_space<vmem>>, vector<16x12xf32>
    %dot_general3A = arith.constant dense<0.000000e+00> : vector<8x12xf32>
    %dot_general3A_128 = tpu.matmul %concatenate3A, %get3A_127, %dot_general3A {dimension_numbers = #tpu.dot_dimension_numbers<[1], [0], [0], [1], [0, 0, 1, 1], [], []>, transpose_lhs_hint = false} : vector<8x16xf32>, vector<16x12xf32>, vector<8x12xf32> -> vector<8x12xf32>
    %get3A_129 = arith.constant 0 : index
    %get3A_130 = arith.constant 0 : index
    %get3A_131 = vector.load %arg5[%get3A_129, %get3A_130] : memref<1x12xf32, #tpu.memory_space<vmem>>, vector<1x12xf32>
    %add3A_132 = vector.broadcast %get3A_131 : vector<1x12xf32> to vector<8x12xf32>
    %add3A_133 = arith.addf %dot_general3A_128, %add3A_132 : vector<8x12xf32>
    %logistic3A = arith.negf %add3A_133 : vector<8x12xf32>
    %logistic3A_134 = math.exp %logistic3A : vector<8x12xf32>
    %logistic3A_135 = arith.constant 1.000000e+00 : f32
    %logistic3A_136 = vector.broadcast %logistic3A_135 : f32 to vector<8x12xf32>
    %logistic3A_137 = arith.addf %logistic3A_136, %logistic3A_134 : vector<8x12xf32>
    %logistic3A_138 = arith.divf %logistic3A_136, %logistic3A_137 : vector<8x12xf32>
    %swap3A = arith.constant 0 : index
    %swap3A_139 = arith.constant 0 : index
    %swap3A_140 = vector.load %arg6[%swap3A, %swap3A_139] : memref<8x12xf32, #tpu.memory_space<vmem>>, vector<8x12xf32>
    tpu.vector_store %arg6[%swap3A, %swap3A_139], %logistic3A_138 {strides = array<i32>} : memref<8x12xf32, #tpu.memory_space<vmem>>, vector<8x12xf32>,
    return
  }
}

</mosaic_0001>

<sc_bundles>
// kernel: kernel.10.cloned.1.call-start
scs
__scs_entry_jumppad:
0x0: {  	(pc) =	sbr.rel $0x88, $3  }
0x1: {  	(tag) =	ssettag $0x0;
	lr =	simm.s32 $0x1  }
0x2: {  	[smem:$0x3F94] =	sst lr;
	_ =	strace $0xD0000000  }
0x3: {  	_ = 	snop  }
0x4: {  	_ = 	snop  }
0x5: {  	_ = 	snop  }
0x6: {  	_ = 	snop  }
0x7: {  	_ = 	snop  }
__scs_overlays_trampoline_lowered:
0x8: {  	[smem:$0x3FA3] =	sst s0  }
0x9: {  	[smem:$0x3FA4] =	sst s1  }
0xa: {  	[smem:$0x3FA5] =	sst s2  }
0xb: {  	[smem:$0x3FA6] =	sst s3  }
0xc: {  	[smem:$0x3FA7] =	sst s4  }
0xd: {  	[smem:$0x3FA8] =	sst s5  }
0xe: {  	[smem:$0x3FA9] =	sst s6  }
0xf: {  	[smem:$0x3FAA] =	sst s7  }
0x10: {  	[smem:$0x3FAB] =	sst s8  }
0x11: {  	[smem:$0x3FAC] =	sst s9;
	s0 =	simm.s32 @!p0 $0x0  }
0x12: {  	s1 =	sld [smem:$0x3F92];
	s0 =	simm.s32 @p0 $0x1  }
0x13: {  	[smem:$0x3FAD] =	sst s0;
	s0 =	simm.s32 @!p1 $0x0  }
0x14: {  	s2 =	sld [smem:$0x3F91];
	s0 =	simm.s32 @p1 $0x1  }
0x15: {  	[smem:$0x3FAE] =	sst s0;
	s0 =	simm.s32 @!p2 $0x0  }
0x16: {  	s3 =	sld [smem:$0x3FDB];
	s0 =	simm.s32 @p2 $0x1  }
0x17: {  	s4 =	simm.s32 $0x1BF5;
	[smem:$0x3FB0] =	sst s0  }
0x18: {  	s0 =	sld [smem:$0x3F93];
	_ =	swait.ge [sflag:s4], $0x0  }
0x19: {  	s7 =	sld [smem:$0x3F94]  }
0x1a: {  	s8 =	sadd.s32 $0xFFFFE003, lr  }
0x1b: {  	s9 =	sadd.s32 $0xFFFFFEF7, lr;
	s5 =	simm.s32 $0xFFFFFFFF;
	p2 =	slt.u32 s8, $0xFFFFF086  }
0x1c: {  	p1 =	slt.u32 s9, $0xF7A;
	s5 =	simm.s32 @!p2 $0x0  }
0x1d: {  	s5 =	simm.s32 @p1 $0x1;
	p0 =	seq.s32 s7, s2  }
0x1e: {  	s7 =	smul.u32 @!p0 $0xF7A, s2;
	p2 =	seq.s32 @!p0 s5, $0x0  }
0x1f: {  	s9 =	smul.u32 $0xF7A, s1;
	s8 =	simm.s32 @!p0 $0x1BF5;
	p2 =	por !p2, p0  }
0x20: {  	[sflag:s8] =	ssyncset.s32 @!p0 $0xFFFFF086;
	s6 =	sadd.s32 @!p0 s3, s7;
	s7 =	simm.s32 @!p0 $0x108  }
0x21: {  	s3 =	sadd.s32 s3, s9;
	s6 =	sadd.s32 @!p0 $0x88, s6;
	s7 =	simm.s32 @p2 $0x1082  }
0x22: {  	[simem:s7], [sflag:s8] =	dma.local @!p0 [hbm:s6], $0xF7A  }
0x23: {  	s9 =	sor.u32 $0xD0000000, s2;
	s6 =	simm.s32 $0x108;
	_ =	swait.ge @!p0 [sflag:s8], $0x0  }
0x24: {  	s3 =	sadd.s32 $0x88, s3;
	s6 =	simm.s32 @!p1 $0x1082;
	[sflag:s4] =	ssyncset.s32 $0xFFFFF086  }
0x25: {  	[simem:s6], [sflag:s4] =	dma.local [hbm:s3], $0xF7A  }
0x26: {  	[smem:$0x3F94] =	sst s1;
	(tag) =	ssettag s2;
	_ =	strace s9  }
0x27: {  	s1 =	sld [smem:$0x3FA4]  }
0x28: {  	s2 =	sld [smem:$0x3FA5]  }
0x29: {  	s4 =	sld [smem:$0x3FA7]  }
0x2a: {  	p0 =	seq.s32 s5, $0x0;
	s5 =	sld [smem:$0x3FA8]  }
0x2b: {  	s6 =	sld [smem:$0x3FA9]  }
0x2c: {  	s7 =	sld [smem:$0x3FAA]  }
0x2d: {  	s3 =	simm.s32 $0x108;
	s8 =	sld [smem:$0x3FAB]  }
0x2e: {  	s3 =	simm.s32 @!p0 $0x1082;
	s9 =	sld [smem:$0x3FAC]  }
0x2f: {  	lr =	sadd.s32 s0, s3;
	s0 =	sld [smem:$0x3FA3]  }
0x30: {  	s3 =	sld [smem:$0x3FA6]  }
0x31: {  	[smem:$0x3FAF] =	sst s10  }
0x32: {  	s10 =	sld [smem:$0x3FAD];
	_ =	sdelay $0x3  }
0x33: {  	p0 =	seq.s32 s10, $0x1;
	s10 =	sld [smem:$0x3FAF];
	_ =	sdelay $0x3  }
0x34: {  	[smem:$0x3FAF] =	sst s10  }
0x35: {  	s10 =	sld [smem:$0x3FAE];
	_ =	sdelay $0x3  }
0x36: {  	p1 =	seq.s32 s10, $0x1;
	s10 =	sld [smem:$0x3FAF];
	_ =	sdelay $0x3  }
0x37: {  	[smem:$0x3FAF] =	sst s10  }
0x38: {  	s10 =	sld [smem:$0x3FB0]  }
0x39: {  	_ = 	snop;
	(pc) =	sbr.ind lr, $3  }
0x3a: {  	_ = 	snop  }
0x3b: {  	_ = 	snop  }
0x3c: {  	p2 =	seq.s32 s10, $0x1;
	s10 =	sld [smem:$0x3FAF]  }
0x3d: {  	_ =	shalt  }
0x3e: {  	_ =	shalt  }
0x3f: {  	_ =	shalt  }
0x40: {  	_ =	shalt  }
0x41: {  	_ =	shalt  }
0x42: {  	_ =	shalt  }
0x43: {  	_ =	shalt  }
0x44: {  	_ =	shalt  }
0x45: {  	_ =	shalt  }
0x46: {  	_ =	shalt  }
0x47: {  	_ =	shalt  }
0x48: {  	_ =	shalt  }
0x49: {  	_ =	shalt  }
0x4a: {  	_ =	shalt  }
0x4b: {  	_ =	shalt  }
0x4c: {  	_ =	shalt  }
0x4d: {  	_ =	shalt  }
0x4e: {  	_ =	shalt  }
0x4f: {  	_ =	shalt  }
0x50: {  	_ =	shalt  }
0x51: {  	_ =	shalt  }
0x52: {  	_ =	shalt  }
0x53: {  	_ =	shalt  }
0x54: {  	_ =	shalt  }
0x55: {  	_ =	shalt  }
0x56: {  	_ =	shalt  }
0x57: {  	_ =	shalt  }
0x58: {  	_ =	shalt  }
0x59: {  	_ =	shalt  }
0x5a: {  	_ =	shalt  }
0x5b: {  	_ =	shalt  }
0x5c: {  	_ =	shalt  }
0x5d: {  	_ =	shalt  }
0x5e: {  	_ =	shalt  }
0x5f: {  	_ =	shalt  }
0x60: {  	_ =	shalt  }
0x61: {  	_ =	shalt  }
0x62: {  	_ =	shalt  }
0x63: {  	_ =	shalt  }
0x64: {  	_ =	shalt  }
0x65: {  	_ =	shalt  }
0x66: {  	_ =	shalt  }
0x67: {  	_ =	shalt  }
0x68: {  	_ =	shalt  }
0x69: {  	_ =	shalt  }
0x6a: {  	_ =	shalt  }
0x6b: {  	_ =	shalt  }
0x6c: {  	_ =	shalt  }
0x6d: {  	_ =	shalt  }
0x6e: {  	_ =	shalt  }
0x6f: {  	_ =	shalt  }
0x70: {  	_ =	shalt  }
0x71: {  	_ =	shalt  }
0x72: {  	_ =	shalt  }
0x73: {  	_ =	shalt  }
0x74: {  	_ =	shalt  }
0x75: {  	_ =	shalt  }
0x76: {  	_ =	shalt  }
0x77: {  	_ =	shalt  }
0x78: {  	_ =	shalt  }
0x79: {  	_ =	shalt  }
0x7a: {  	_ =	shalt  }
0x7b: {  	_ =	shalt  }
0x7c: {  	_ =	shalt  }
0x7d: {  	_ =	shalt  }
0x7e: {  	_ =	shalt  }
0x7f: {  	_ =	shalt  }
0x80: {  	_ =	shalt  }
0x81: {  	_ =	shalt  }
0x82: {  	_ =	shalt  }
0x83: {  	_ =	shalt  }
0x84: {  	_ =	shalt  }
0x85: {  	_ =	shalt  }
0x86: {  	_ =	shalt  }
0x87: {  	_ =	shalt  }
.Lfunc_end0:
.L_simem_size_0:
called_computation.1_lowered:
.L_overlay_start_0:
0x88: {  	s2 =	sld [smem:$0x3FD9]  }
0x89: {  	s3 =	sld [smem:$0x3FFE];
	_ =	sdelay $0x1  }
0x8a: {  	s1 =	srdreg.scid  }
0x8b: {  	s0 =	sand.u32 $0x1, s1  }
0x8c: {  	s16 =	sshll.u32 s0, $0xA;
	s2 =	sadd.s32 s3, s2  }
0x8d: {  	s2 =	sadd.s32 s2, s16  }
0x8e: {  	[smem:$0x3FBB] =	sst s2  }
0x8f: {  	_ = 	snop  }
0x90: {  	(tm) =	ssettm $0x1  }
0x91: {  	s17 =	sld [smem:$0x3FFB];
	_ =	sdelay $0x3  }
0x92: {  	_ =	strace s17  }
0x93: {  	s2 =	sld [smem:$0x3FFC];
	_ =	sdelay $0x3  }
0x94: {  	_ =	strace s2  }
0x95: {  	s2 =	sld [smem:$0x3FFD];
	_ =	sdelay $0x3  }
0x96: {  	_ =	strace s2  }
0x97: {  	_ =	strace $0x8FFFFFFF  }
0x98: {  	s18 =	sld [smem:$0x3FDB];
	_ =	sdelay $0x1  }
0x99: {  	s19 =	simm.s32 $_scs_section_size  }
0x9a: {  	s4 =	simm.s32 $_size__tile_overlayer_lowered;
	s5 =	simm.s32 $_tile_overlayer_lowered  }
0x9b: {  	s22 =	simm.s32 $0x1BFF;
	s21 =	sshll.u32 s5, $0x1;
	s2 =	sadd.s32 s19, s18  }
0x9c: {  	s6 =	simm.s32 $0x0;
	s20 =	sshll.u32 s4, $0x1;
	s4 =	sadd.s32 s21, s2  }
0x9d: {  	[timem:s6], [sflag:s22] =	dma.local [hbm:s4], s20  }
0x9e: {  	_ =	swait.ge [sflag:s22], s20  }
0x9f: {  	s3 =	ssub.s32 $0x0, s20;
	[sflag:s22] =	ssyncset.done $0x0  }
0xa0: {  	[sflag:s22] =	ssyncadd.s32 s3;
	_ =	sdelay $0x1  }
0xa1: {  	s23 =	simm.s32 $0x1B8B  }
0xa2: {  	_ =	swait.ge [sflag:s23], $0x1  }
0xa3: {  	[sflag:s23] =	ssyncset.done $0x0  }
0xa4: {  	s25 =	simm.s32 $0x1B8E;
	s24 =	sld [smem:$0x3FFE];
	[sflag:s23] =	ssyncadd.s32 $0xFFFFFFFF  }
0xa5: {  	s26 =	simm.s32 $execute0_lowered;
	[smem:$0x3FD2] =	sst s25  }
0xa6: {  	s4 =	sshll.u32 s26, $0x1;
	_ =	strace $0x80000049;
	[dreg:$0x1] =	wrdreg $0xFFFFFFFF  }
0xa7: {  	s28 =	simm.s32 $_size_execute0_lowered;
	s2 =	sadd.s32 s2, s4;
	[dreg:$0x0] =	wrdreg $0x0  }
0xa8: {  	s4 =	sshll.u32 s28, $0x1;
	[dreg:$0x2] =	wrdreg s2  }
0xa9: {  	[dreg:$0x3] =	wrdreg s4  }
0xaa: {  	[dreg:$0x4] =	wrdreg $0xC0  }
0xab: {  	_ =	task [dreg:s6], $0x5FFFF  }
0xac: {  	[dreg:$0x1] =	wrdreg $0xFFFFFFFF  }
0xad: {  	[dreg:$0x0] =	wrdreg $0x60  }
0xae: {  	[dreg:$0x2] =	wrdreg s24  }
0xaf: {  	[dreg:$0x3] =	wrdreg $0x30000  }
0xb0: {  	[dreg:$0x4] =	wrdreg $0x57100  }
0xb1: {  	[dreg:$0x5] =	wrdreg $0x9  }
0xb2: {  	_ =	task.clear_ibuf [dreg:s6], $0x6FFFF;
	_ =	strace $0x90000049  }
0xb3: {  	s29 =	simm.s32 $0x9;
	_ =	strace $0x8000004B  }
0xb4: {  	_ =	swait.ge [sflag:s29], $0x1  }
0xb5: {  	[sflag:s29] =	ssyncadd.s32 $0xFFFFFFFF  }
0xb6: {  	_ =	strace $0x9000004B  }
0xb7: {  	_ =	sfence  }
0xb8: {  	s30 =	sld [smem:$0x0];
	_ =	sdelay $0x2  }
0xb9: {  	s31 =	sshll.u32 s1, $0xD;
	s1 =	sshrl.u32 s1, $0x2  }
0xba: {  	s3 =	sand.u32 $0x4000, s31;
	s1 =	sadd.s32 s1, s30  }
0xbb: {  	s0 =	sor.u32 s3, s0;
	s1 =	sshll.u32 s1, $0x11  }
0xbc: {  	s0 =	sor.u32 s1, s0  }
0xbd: {  	s0 =	sadd.s32 $0x8F2B, s0  }
0xbe: {  	[sflag:s0] =	ssyncadd.remote.s32 $0x1  }
0xbf: {  	_ =	sfence.sel $0xFFFF  }
0xc0: {  	[dreg:$0x0] =	wrdreg $0xFFFFFFFF;
	(pc) =	sbr.abs _section_cstart, $3  }
0xc1: {  	[dreg:$0x1] =	wrdreg $0xFFFFFFFF  }
0xc2: {  	_ =	task.clear_ibuf [dreg:s6], $0x2FFFF;
	_ =	strace $0x9FFFFFFF  }
0xc3: {  	(tm) =	ssettm $0x7FFFFFFF  }
tec
execute0_lowered:
.L_overlay_start_1:
0x0: {  	(tag) =	ssettag $0x1  }
0x1: {  	s6 =	rddreg [dreg:$0x0]  }
0x2: {  	s0 =	srdreg.scid;
	s1 =	rddreg [dreg:$0x1]  }
0x3: {  	s2 =	rddreg [dreg:$0x2];
	s8 =	stileid.u32;
	s3 =	simm.s32 $0x0  }
0x4: {  	s12 =	simm.s32 $0x1;
	s13 =	simm.s32 $0x1400;
	s14 =	simm.s32 $0x80  }
0x5: {  	s15 =	simm.s32 $0x2800;
	s4 =	sand.u32 $0x1, s0;
	s0 =	rddreg [dreg:$0x3]  }
0x6: {  	s16 =	simm.s32 $0x0;
	[smem:$0x7FF] =	sst s3;
	p0 =	sne.s32 s8, $0x0  }
0x7: {  	s5 =	sshll.u32 s4, $0x4;
	_ =	strace $0x8000004A;
	s9 =	smul.u32 $0x4E20, s4  }
0x8: {  	s10 =	ssub.s32 $0x2, s4;
	s4 =	sadd.s32 $0x1600, s6;
	s5 =	sor.u32 s8, s5  }
0x9: {  	s11 =	sshrl.u32 s10, $0x1;
	s7 =	smul.u32 $0x280, s5;
	s5 =	sadd.s32 $0x10600, s6  }
0xa: {  	s9 =	sadd.s32 s9, s6;
	s10 =	ssub.s32 s10, s11;
	s11 =	sshrl.u32 @!p0 s2, $0x3  }
0xb: {  	s8 =	sadd.s32 $0x15600, s9;
	s9 =	smax.u32 s10, $0x1;
	s7 =	sadd.s32 s7, s6  }
0xc: {  	s10 =	sshrl.u32 @!p0 s1, $0x3;
	s6 =	sadd.s32 $0xB600, s7;
	s7 =	sadd.s32 $0x6600, s7  }
.LBB2_1:
0xd: {  	s17 =	simm.s32 @!p0 $0x1C01;
	s18 =	simm.s32 @!p0 $0x1  }
0xe: {  	[spmem:s10], [sflag:s17] =	dma.local @!p0 [hbm:s4], $0x4E20  }
0xf: {  	_ =	swait.ge @!p0 [sflag:s18], $0x4E20  }
0x10: {  	[sflag:s18] =	ssyncset.done @!p0 $0x0  }
0x11: {  	[sflag:s18] =	ssyncadd.s32 @!p0 $0xFFFFB1E0  }
0x12: {  	[spmem:s11], [sflag:s17] =	dma.local @!p0 [hbm:s5], $0x4E40  }
0x13: {  	_ =	swait.ge @!p0 [sflag:s18], $0x4E40  }
0x14: {  	[sflag:s18] =	ssyncset.done @!p0 $0x0  }
0x15: {  	[sflag:s18] =	ssyncadd.s32 @!p0 $0xFFFFB1C0  }
0x16: {  	[tilespmem:s3], [sflag:$0x1] =	stream.linear.gather [hbm4b:s6+s3], $0x1400, $0x38;
	[tilespmem:$0x7E30] =	vst v63  }
0x17: {  	_ =	swait.ge [sflag:s12], $0x1400  }
0x18: {  	[sflag:s12] =	ssyncset.done $0x0  }
0x19: {  	[sflag:s12] =	ssyncadd.s32 $0xFFFFEC00  }
0x1a: {  	[tilespmem:s13], [sflag:$0x1] =	stream.linear.gather [hbm4b:s7+s3], $0x1400, $0x38;
	[tilespmem:$0x7E30] =	vst v63  }
0x1b: {  	_ =	swait.ge [sflag:s12], $0x1400  }
0x1c: {  	[sflag:s12] =	ssyncset.done $0x0  }
0x1d: {  	[sflag:s12] =	ssyncadd.s32 $0xFFFFEC00  }
0x1e: {  	s30 =	simm.s32 $0x0;
	[bflag:$0x0] =	sbarrier.arrive $0xFFFF  }
0x1f: {  	[tilespmem:s15], [sflag:$0x1] =	stream.indirect.gather [spmem:s1], $0x10, s30, s14, $0xb8;
	[tilespmem:$0x7E30] =	vst v63  }
0x20: {  	_ =	swait.ge [sflag:s12], $0x800  }
0x21: {  	[sflag:s12] =	ssyncset.done $0x0  }
0x22: {  	s31 =	simm.s32 $0x1400;
	[sflag:s12] =	ssyncadd.s32 $0xFFFFF800  }
0x23: {  	[spmem:s2] =	stream.indirect.scatter.add.f32 [tilespmem:s15], [sflag:$0x1], $0x10, s31, s14, $0xb8;
	[tilespmem:$0x7E30] =	vst v63  }
0x24: {  	_ =	swait.ge [sflag:s12], $0x800  }
0x25: {  	s17 =	simm.s32 $0x200;
	s18 =	simm.s32 $0x400;
	[sflag:s12] =	ssyncset.done $0x0  }
.LBB2_2:
0x26: {  	s19 =	sshra.s32 s17, $0x2  }
0x27: {  	[sflag:s12] =	ssyncadd.s32 $0xFFFFF800;
	s17 =	smov.u32 s18;
	s20 =	sadd.s32 $0x200, s18  }
0x28: {  	[tilespmem:s15], [sflag:$0x1] =	stream.indirect.gather [spmem:s1], $0x10, s19, s14, $0xb8;
	[tilespmem:$0x7E30] =	vst v63  }
0x29: {  	p1 =	sne.s32 s18, $0x4E00;
	_ =	swait.ge [sflag:s12], $0x800  }
.Ltmp0:
0x2a: {  	[sflag:s12] =	ssyncset.done $0x0;
	(pc) =	sbr.rel @p1 .LBB2_2-.Ltmp0, $4  }
0x2b: {  	s18 =	sadd.s32 $0x1400, s19;
	[sflag:s12] =	ssyncadd.s32 $0xFFFFF800  }
0x2c: {  	[spmem:s2] =	stream.indirect.scatter.add.f32 [tilespmem:s15], [sflag:$0x1], $0x10, s18, s14, $0xb8;
	[tilespmem:$0x7E30] =	vst v63  }
0x2d: {  	_ =	swait.ge [sflag:s12], $0x800  }
0x2e: {  	s18 =	smov.u32 s20;
	[sflag:s12] =	ssyncset.done $0x0  }
0x2f: {  	s17 =	sshra.s32 s17, $0x2;
	[sflag:s12] =	ssyncadd.s32 $0xFFFFF800  }
0x30: {  	[tilespmem:s15], [sflag:$0x1] =	stream.indirect.gather [spmem:s1], $0x10, s17, s14, $0xb8;
	[tilespmem:$0x7E30] =	vst v63  }
0x31: {  	_ =	swait.ge [sflag:s12], $0x800  }
0x32: {  	[sflag:s12] =	ssyncset.done $0x0  }
0x33: {  	s17 =	sadd.s32 $0x1400, s17;
	[sflag:s12] =	ssyncadd.s32 $0xFFFFF800  }
0x34: {  	[spmem:s2] =	stream.indirect.scatter.add.f32 [tilespmem:s15], [sflag:$0x1], $0x10, s17, s14, $0xb8;
	[tilespmem:$0x7E30] =	vst v63  }
0x35: {  	_ =	swait.ge [sflag:s12], $0x800  }
0x36: {  	[sflag:s12] =	ssyncset.done $0x0  }
0x37: {  	s16 =	sadd.s32 $0x1, s16;
	[sflag:s12] =	ssyncadd.s32 $0xFFFFF800  }
0x38: {  	p1 =	sne.s32 s16, s9;
	s17 =	simm.s32 @!p0 $0x1C01;
	[bflag:$0x0] =	sbarrier.arrive $0xFFFF  }
0x39: {  	[hbm:s8], [sflag:s17] =	dma.local @!p0 [spmem:s11], $0x4E20  }
.Ltmp1:
0x3a: {  	_ = 	snop;
	(pc) =	sbr.rel @p1 .LBB2_1-.Ltmp1, $4  }
0x3b: {  	s17 =	simm.s32 @!p0 $0x1  }
0x3c: {  	_ =	swait.ge @!p0 [sflag:s17], $0x4E20  }
0x3d: {  	[sflag:s17] =	ssyncset.done @!p0 $0x0  }
0x3e: {  	[sflag:s17] =	ssyncadd.s32 @!p0 $0xFFFFB1E0  }
0x3f: {  	_ =	sfence.sel $0x180000  }
0x40: {  	[bflag:$0x0] =	sbarrier.arrive $0xFFFF  }
0x41: {  	_ =	strace $0x9000004A  }
0x42: {  	s0 =	sadd.s32 @!p0 $0x100000, s0;
	[bflag:$0x2] =	sbarrier.arrive $0xFFFF  }
0x43: {  	[sflag:s0] =	ssyncadd.tile.s32 @!p0 $0x1;
	_ =	shalt  }
.Lfunc_end2:
_tile_overlayer_lowered:
.L_overlay_start_2:
0x44: {  	(tag) =	ssettag $0x2  }
0x45: {  	s0 =	rddreg [dreg:$0x0];
	s2 =	stileid.u32  }
0x46: {  	s1 =	rddreg [dreg:$0x1];
	p0 =	sne.s32 s2, $0x0  }
0x47: {  	s3 =	rddreg [dreg:$0x2];
	[bflag:$0x3] =	sbarrier.arrive $0xFFFF;
	s2 =	simm.s32 @!p0 $0x1C01  }
0x48: {  	[timem:s3], [sflag:s2] =	dma.local @!p0 [hbm:s0], s1  }
0x49: {  	s0 =	simm.s32 @!p0 $0x1  }
0x4a: {  	_ =	swait.ge @!p0 [sflag:s0], s1  }
0x4b: {  	s1 =	ssub.s32 @!p0 $0x0, s1;
	[sflag:s0] =	ssyncset.done @!p0 $0x0  }
0x4c: {  	[sflag:s0] =	ssyncadd.s32 @!p0 s1  }
0x4d: {  	[bflag:$0x3] =	sbarrier.arrive $0xFFFF  }
0x4e: {  	_ =	shalt  }

// kernel: kernel.7.cloned.1.call-start
scs
__scs_entry_jumppad:
0x0: {  	(pc) =	sbr.rel $0x88, $3  }
0x1: {  	(tag) =	ssettag $0x0;
	lr =	simm.s32 $0x1  }
0x2: {  	[smem:$0x3F94] =	sst lr;
	_ =	strace $0xD0000000  }
0x3: {  	_ = 	snop  }
0x4: {  	_ = 	snop  }
0x5: {  	_ = 	snop  }
0x6: {  	_ = 	snop  }
0x7: {  	_ = 	snop  }
__scs_overlays_trampoline_lowered:
0x8: {  	[smem:$0x3FA3] =	sst s0  }
0x9: {  	[smem:$0x3FA4] =	sst s1  }
0xa: {  	[smem:$0x3FA5] =	sst s2  }
0xb: {  	[smem:$0x3FA6] =	sst s3  }
0xc: {  	[smem:$0x3FA7] =	sst s4  }
0xd: {  	[smem:$0x3FA8] =	sst s5  }
0xe: {  	[smem:$0x3FA9] =	sst s6  }
0xf: {  	[smem:$0x3FAA] =	sst s7  }
0x10: {  	[smem:$0x3FAB] =	sst s8  }
0x11: {  	[smem:$0x3FAC] =	sst s9;
	s0 =	simm.s32 @!p0 $0x0  }
0x12: {  	s1 =	sld [smem:$0x3F92];
	s0 =	simm.s32 @p0 $0x1  }
0x13: {  	[smem:$0x3FAD] =	sst s0;
	s0 =	simm.s32 @!p1 $0x0  }
0x14: {  	s2 =	sld [smem:$0x3F91];
	s0 =	simm.s32 @p1 $0x1  }
0x15: {  	[smem:$0x3FAE] =	sst s0;
	s0 =	simm.s32 @!p2 $0x0  }
0x16: {  	s3 =	sld [smem:$0x3FDB];
	s0 =	simm.s32 @p2 $0x1  }
0x17: {  	s4 =	simm.s32 $0x1BF5;
	[smem:$0x3FB0] =	sst s0  }
0x18: {  	s0 =	sld [smem:$0x3F93];
	_ =	swait.ge [sflag:s4], $0x0  }
0x19: {  	s7 =	sld [smem:$0x3F94]  }
0x1a: {  	s8 =	sadd.s32 $0xFFFFE003, lr  }
0x1b: {  	s9 =	sadd.s32 $0xFFFFFEF7, lr;
	s5 =	simm.s32 $0xFFFFFFFF;
	p2 =	slt.u32 s8, $0xFFFFF086  }
0x1c: {  	p1 =	slt.u32 s9, $0xF7A;
	s5 =	simm.s32 @!p2 $0x0  }
0x1d: {  	s5 =	simm.s32 @p1 $0x1;
	p0 =	seq.s32 s7, s2  }
0x1e: {  	s7 =	smul.u32 @!p0 $0xF7A, s2;
	p2 =	seq.s32 @!p0 s5, $0x0  }
0x1f: {  	s9 =	smul.u32 $0xF7A, s1;
	s8 =	simm.s32 @!p0 $0x1BF5;
	p2 =	por !p2, p0  }
0x20: {  	[sflag:s8] =	ssyncset.s32 @!p0 $0xFFFFF086;
	s6 =	sadd.s32 @!p0 s3, s7;
	s7 =	simm.s32 @!p0 $0x108  }
0x21: {  	s3 =	sadd.s32 s3, s9;
	s6 =	sadd.s32 @!p0 $0x88, s6;
	s7 =	simm.s32 @p2 $0x1082  }
0x22: {  	[simem:s7], [sflag:s8] =	dma.local @!p0 [hbm:s6], $0xF7A  }
0x23: {  	s9 =	sor.u32 $0xD0000000, s2;
	s6 =	simm.s32 $0x108;
	_ =	swait.ge @!p0 [sflag:s8], $0x0  }
0x24: {  	s3 =	sadd.s32 $0x88, s3;
	s6 =	simm.s32 @!p1 $0x1082;
	[sflag:s4] =	ssyncset.s32 $0xFFFFF086  }
0x25: {  	[simem:s6], [sflag:s4] =	dma.local [hbm:s3], $0xF7A  }
0x26: {  	[smem:$0x3F94] =	sst s1;
	(tag) =	ssettag s2;
	_ =	strace s9  }
0x27: {  	s1 =	sld [smem:$0x3FA4]  }
0x28: {  	s2 =	sld [smem:$0x3FA5]  }
0x29: {  	s4 =	sld [smem:$0x3FA7]  }
0x2a: {  	p0 =	seq.s32 s5, $0x0;
	s5 =	sld [smem:$0x3FA8]  }
0x2b: {  	s6 =	sld [smem:$0x3FA9]  }
0x2c: {  	s7 =	sld [smem:$0x3FAA]  }
0x2d: {  	s3 =	simm.s32 $0x108;
	s8 =	sld [smem:$0x3FAB]  }
0x2e: {  	s3 =	simm.s32 @!p0 $0x1082;
	s9 =	sld [smem:$0x3FAC]  }
0x2f: {  	lr =	sadd.s32 s0, s3;
	s0 =	sld [smem:$0x3FA3]  }
0x30: {  	s3 =	sld [smem:$0x3FA6]  }
0x31: {  	[smem:$0x3FAF] =	sst s10  }
0x32: {  	s10 =	sld [smem:$0x3FAD];
	_ =	sdelay $0x3  }
0x33: {  	p0 =	seq.s32 s10, $0x1;
	s10 =	sld [smem:$0x3FAF];
	_ =	sdelay $0x3  }
0x34: {  	[smem:$0x3FAF] =	sst s10  }
0x35: {  	s10 =	sld [smem:$0x3FAE];
	_ =	sdelay $0x3  }
0x36: {  	p1 =	seq.s32 s10, $0x1;
	s10 =	sld [smem:$0x3FAF];
	_ =	sdelay $0x3  }
0x37: {  	[smem:$0x3FAF] =	sst s10  }
0x38: {  	s10 =	sld [smem:$0x3FB0]  }
0x39: {  	_ = 	snop;
	(pc) =	sbr.ind lr, $3  }
0x3a: {  	_ = 	snop  }
0x3b: {  	_ = 	snop  }
0x3c: {  	p2 =	seq.s32 s10, $0x1;
	s10 =	sld [smem:$0x3FAF]  }
0x3d: {  	_ =	shalt  }
0x3e: {  	_ =	shalt  }
0x3f: {  	_ =	shalt  }
0x40: {  	_ =	shalt  }
0x41: {  	_ =	shalt  }
0x42: {  	_ =	shalt  }
0x43: {  	_ =	shalt  }
0x44: {  	_ =	shalt  }
0x45: {  	_ =	shalt  }
0x46: {  	_ =	shalt  }
0x47: {  	_ =	shalt  }
0x48: {  	_ =	shalt  }
0x49: {  	_ =	shalt  }
0x4a: {  	_ =	shalt  }
0x4b: {  	_ =	shalt  }
0x4c: {  	_ =	shalt  }
0x4d: {  	_ =	shalt  }
0x4e: {  	_ =	shalt  }
0x4f: {  	_ =	shalt  }
0x50: {  	_ =	shalt  }
0x51: {  	_ =	shalt  }
0x52: {  	_ =	shalt  }
0x53: {  	_ =	shalt  }
0x54: {  	_ =	shalt  }
0x55: {  	_ =	shalt  }
0x56: {  	_ =	shalt  }
0x57: {  	_ =	shalt  }
0x58: {  	_ =	shalt  }
0x59: {  	_ =	shalt  }
0x5a: {  	_ =	shalt  }
0x5b: {  	_ =	shalt  }
0x5c: {  	_ =	shalt  }
0x5d: {  	_ =	shalt  }
0x5e: {  	_ =	shalt  }
0x5f: {  	_ =	shalt  }
0x60: {  	_ =	shalt  }
0x61: {  	_ =	shalt  }
0x62: {  	_ =	shalt  }
0x63: {  	_ =	shalt  }
0x64: {  	_ =	shalt  }
0x65: {  	_ =	shalt  }
0x66: {  	_ =	shalt  }
0x67: {  	_ =	shalt  }
0x68: {  	_ =	shalt  }
0x69: {  	_ =	shalt  }
0x6a: {  	_ =	shalt  }
0x6b: {  	_ =	shalt  }
0x6c: {  	_ =	shalt  }
0x6d: {  	_ =	shalt  }
0x6e: {  	_ =	shalt  }
0x6f: {  	_ =	shalt  }
0x70: {  	_ =	shalt  }
0x71: {  	_ =	shalt  }
0x72: {  	_ =	shalt  }
0x73: {  	_ =	shalt  }
0x74: {  	_ =	shalt  }
0x75: {  	_ =	shalt  }
0x76: {  	_ =	shalt  }
0x77: {  	_ =	shalt  }
0x78: {  	_ =	shalt  }
0x79: {  	_ =	shalt  }
0x7a: {  	_ =	shalt  }
0x7b: {  	_ =	shalt  }
0x7c: {  	_ =	shalt  }
0x7d: {  	_ =	shalt  }
0x7e: {  	_ =	shalt  }
0x7f: {  	_ =	shalt  }
0x80: {  	_ =	shalt  }
0x81: {  	_ =	shalt  }
0x82: {  	_ =	shalt  }
0x83: {  	_ =	shalt  }
0x84: {  	_ =	shalt  }
0x85: {  	_ =	shalt  }
0x86: {  	_ =	shalt  }
0x87: {  	_ =	shalt  }
.Lfunc_end0:
.L_simem_size_0:
called_computation_lowered:
.L_overlay_start_0:
0x88: {  	s2 =	sld [smem:$0x3FD9]  }
0x89: {  	s3 =	sld [smem:$0x3FFE];
	_ =	sdelay $0x1  }
0x8a: {  	s1 =	srdreg.scid  }
0x8b: {  	s0 =	sand.u32 $0x1, s1  }
0x8c: {  	s16 =	sshll.u32 s0, $0xA;
	s2 =	sadd.s32 s3, s2  }
0x8d: {  	s2 =	sadd.s32 s2, s16  }
0x8e: {  	[smem:$0x3FBB] =	sst s2  }
0x8f: {  	_ = 	snop  }
0x90: {  	(tm) =	ssettm $0x1  }
0x91: {  	s17 =	sld [smem:$0x3FFB];
	_ =	sdelay $0x3  }
0x92: {  	_ =	strace s17  }
0x93: {  	s2 =	sld [smem:$0x3FFC];
	_ =	sdelay $0x3  }
0x94: {  	_ =	strace s2  }
0x95: {  	s2 =	sld [smem:$0x3FFD];
	_ =	sdelay $0x3  }
0x96: {  	_ =	strace s2  }
0x97: {  	_ =	strace $0x8FFFFFFF  }
0x98: {  	s18 =	sld [smem:$0x3FDB];
	_ =	sdelay $0x1  }
0x99: {  	s19 =	simm.s32 $_scs_section_size  }
0x9a: {  	s4 =	simm.s32 $_size__tile_overlayer_lowered;
	s5 =	simm.s32 $_tile_overlayer_lowered  }
0x9b: {  	s22 =	simm.s32 $0x1BFF;
	s21 =	sshll.u32 s5, $0x1;
	s2 =	sadd.s32 s19, s18  }
0x9c: {  	s6 =	simm.s32 $0x0;
	s20 =	sshll.u32 s4, $0x1;
	s4 =	sadd.s32 s21, s2  }
0x9d: {  	[timem:s6], [sflag:s22] =	dma.local [hbm:s4], s20  }
0x9e: {  	_ =	swait.ge [sflag:s22], s20  }
0x9f: {  	s3 =	ssub.s32 $0x0, s20;
	[sflag:s22] =	ssyncset.done $0x0  }
0xa0: {  	[sflag:s22] =	ssyncadd.s32 s3;
	_ =	sdelay $0x1  }
0xa1: {  	s23 =	simm.s32 $0x1B8B  }
0xa2: {  	_ =	swait.ge [sflag:s23], $0x1  }
0xa3: {  	[sflag:s23] =	ssyncset.done $0x0  }
0xa4: {  	s25 =	simm.s32 $0x1B8E;
	s24 =	sld [smem:$0x3FFE];
	[sflag:s23] =	ssyncadd.s32 $0xFFFFFFFF  }
0xa5: {  	s26 =	simm.s32 $execute0_lowered;
	[smem:$0x3FD2] =	sst s25  }
0xa6: {  	s4 =	sshll.u32 s26, $0x1;
	_ =	strace $0x80000046;
	[dreg:$0x1] =	wrdreg $0xFFFFFFFF  }
0xa7: {  	s28 =	simm.s32 $_size_execute0_lowered;
	s2 =	sadd.s32 s2, s4;
	[dreg:$0x0] =	wrdreg $0x0  }
0xa8: {  	s4 =	sshll.u32 s28, $0x1;
	[dreg:$0x2] =	wrdreg s2  }
0xa9: {  	[dreg:$0x3] =	wrdreg s4  }
0xaa: {  	[dreg:$0x4] =	wrdreg $0xC0  }
0xab: {  	_ =	task [dreg:s6], $0x5FFFF  }
0xac: {  	[dreg:$0x1] =	wrdreg $0xFFFFFFFF  }
0xad: {  	[dreg:$0x0] =	wrdreg $0x60  }
0xae: {  	[dreg:$0x2] =	wrdreg s24  }
0xaf: {  	[dreg:$0x3] =	wrdreg $0x30000  }
0xb0: {  	[dreg:$0x4] =	wrdreg $0x57100  }
0xb1: {  	[dreg:$0x5] =	wrdreg $0x9  }
0xb2: {  	_ =	task.clear_ibuf [dreg:s6], $0x6FFFF;
	_ =	strace $0x90000046  }
0xb3: {  	s29 =	simm.s32 $0x9;
	_ =	strace $0x80000048  }
0xb4: {  	_ =	swait.ge [sflag:s29], $0x1  }
0xb5: {  	[sflag:s29] =	ssyncadd.s32 $0xFFFFFFFF  }
0xb6: {  	_ =	strace $0x90000048  }
0xb7: {  	_ =	sfence  }
0xb8: {  	s30 =	sld [smem:$0x0];
	_ =	sdelay $0x2  }
0xb9: {  	s31 =	sshll.u32 s1, $0xD;
	s1 =	sshrl.u32 s1, $0x2  }
0xba: {  	s3 =	sand.u32 $0x4000, s31;
	s1 =	sadd.s32 s1, s30  }
0xbb: {  	s0 =	sor.u32 s3, s0;
	s1 =	sshll.u32 s1, $0x11  }
0xbc: {  	s0 =	sor.u32 s1, s0  }
0xbd: {  	s0 =	sadd.s32 $0x8F2B, s0  }
0xbe: {  	[sflag:s0] =	ssyncadd.remote.s32 $0x1  }
0xbf: {  	_ =	sfence.sel $0xFFFF  }
0xc0: {  	[dreg:$0x0] =	wrdreg $0xFFFFFFFF;
	(pc) =	sbr.abs _section_cstart, $3  }
0xc1: {  	[dreg:$0x1] =	wrdreg $0xFFFFFFFF  }
0xc2: {  	_ =	task.clear_ibuf [dreg:s6], $0x2FFFF;
	_ =	strace $0x9FFFFFFF  }
0xc3: {  	(tm) =	ssettm $0x7FFFFFFF  }
tec
execute0_lowered:
.L_overlay_start_1:
0x0: {  	(tag) =	ssettag $0x1  }
0x1: {  	s6 =	rddreg [dreg:$0x0]  }
0x2: {  	s0 =	srdreg.scid;
	s1 =	rddreg [dreg:$0x1]  }
0x3: {  	s2 =	rddreg [dreg:$0x2];
	s8 =	stileid.u32;
	s3 =	simm.s32 $0x0  }
0x4: {  	s12 =	simm.s32 $0x1;
	s13 =	simm.s32 $0x1400;
	s14 =	simm.s32 $0x80  }
0x5: {  	s15 =	simm.s32 $0x2800;
	s4 =	sand.u32 $0x1, s0;
	s0 =	rddreg [dreg:$0x3]  }
0x6: {  	s16 =	simm.s32 $0x0;
	[smem:$0x7FF] =	sst s3;
	p0 =	sne.s32 s8, $0x0  }
0x7: {  	s5 =	sshll.u32 s4, $0x4;
	_ =	strace $0x80000047;
	s9 =	smul.u32 $0x4E20, s4  }
0x8: {  	s10 =	ssub.s32 $0x2, s4;
	s4 =	sadd.s32 $0x1600, s6;
	s5 =	sor.u32 s8, s5  }
0x9: {  	s11 =	sshrl.u32 s10, $0x1;
	s7 =	smul.u32 $0x280, s5;
	s5 =	sadd.s32 $0x10600, s6  }
0xa: {  	s9 =	sadd.s32 s9, s6;
	s10 =	ssub.s32 s10, s11;
	s11 =	sshrl.u32 @!p0 s2, $0x3  }
0xb: {  	s8 =	sadd.s32 $0x15600, s9;
	s9 =	smax.u32 s10, $0x1;
	s7 =	sadd.s32 s7, s6  }
0xc: {  	s10 =	sshrl.u32 @!p0 s1, $0x3;
	s6 =	sadd.s32 $0xB600, s7;
	s7 =	sadd.s32 $0x6600, s7  }
.LBB2_1:
0xd: {  	s17 =	simm.s32 @!p0 $0x1C01;
	s18 =	simm.s32 @!p0 $0x1  }
0xe: {  	[spmem:s10], [sflag:s17] =	dma.local @!p0 [hbm:s4], $0x4E20  }
0xf: {  	_ =	swait.ge @!p0 [sflag:s18], $0x4E20  }
0x10: {  	[sflag:s18] =	ssyncset.done @!p0 $0x0  }
0x11: {  	[sflag:s18] =	ssyncadd.s32 @!p0 $0xFFFFB1E0  }
0x12: {  	[spmem:s11], [sflag:s17] =	dma.local @!p0 [hbm:s5], $0x4E40  }
0x13: {  	_ =	swait.ge @!p0 [sflag:s18], $0x4E40  }
0x14: {  	[sflag:s18] =	ssyncset.done @!p0 $0x0  }
0x15: {  	[sflag:s18] =	ssyncadd.s32 @!p0 $0xFFFFB1C0  }
0x16: {  	[tilespmem:s3], [sflag:$0x1] =	stream.linear.gather [hbm4b:s6+s3], $0x1400, $0x38;
	[tilespmem:$0x7E30] =	vst v63  }
0x17: {  	_ =	swait.ge [sflag:s12], $0x1400  }
0x18: {  	[sflag:s12] =	ssyncset.done $0x0  }
0x19: {  	[sflag:s12] =	ssyncadd.s32 $0xFFFFEC00  }
0x1a: {  	[tilespmem:s13], [sflag:$0x1] =	stream.linear.gather [hbm4b:s7+s3], $0x1400, $0x38;
	[tilespmem:$0x7E30] =	vst v63  }
0x1b: {  	_ =	swait.ge [sflag:s12], $0x1400  }
0x1c: {  	[sflag:s12] =	ssyncset.done $0x0  }
0x1d: {  	[sflag:s12] =	ssyncadd.s32 $0xFFFFEC00  }
0x1e: {  	s30 =	simm.s32 $0x0;
	[bflag:$0x0] =	sbarrier.arrive $0xFFFF  }
0x1f: {  	[tilespmem:s15], [sflag:$0x1] =	stream.indirect.gather [spmem:s1], $0x10, s30, s14, $0xb8;
	[tilespmem:$0x7E30] =	vst v63  }
0x20: {  	_ =	swait.ge [sflag:s12], $0x800  }
0x21: {  	[sflag:s12] =	ssyncset.done $0x0  }
0x22: {  	s31 =	simm.s32 $0x1400;
	[sflag:s12] =	ssyncadd.s32 $0xFFFFF800  }
0x23: {  	[spmem:s2] =	stream.indirect.scatter.add.f32 [tilespmem:s15], [sflag:$0x1], $0x10, s31, s14, $0xb8;
	[tilespmem:$0x7E30] =	vst v63  }
0x24: {  	_ =	swait.ge [sflag:s12], $0x800  }
0x25: {  	s17 =	simm.s32 $0x200;
	s18 =	simm.s32 $0x400;
	[sflag:s12] =	ssyncset.done $0x0  }
.LBB2_2:
0x26: {  	s19 =	sshra.s32 s17, $0x2  }
0x27: {  	[sflag:s12] =	ssyncadd.s32 $0xFFFFF800;
	s17 =	smov.u32 s18;
	s20 =	sadd.s32 $0x200, s18  }
0x28: {  	[tilespmem:s15], [sflag:$0x1] =	stream.indirect.gather [spmem:s1], $0x10, s19, s14, $0xb8;
	[tilespmem:$0x7E30] =	vst v63  }
0x29: {  	p1 =	sne.s32 s18, $0x4E00;
	_ =	swait.ge [sflag:s12], $0x800  }
.Ltmp0:
0x2a: {  	[sflag:s12] =	ssyncset.done $0x0;
	(pc) =	sbr.rel @p1 .LBB2_2-.Ltmp0, $4  }
0x2b: {  	s18 =	sadd.s32 $0x1400, s19;
	[sflag:s12] =	ssyncadd.s32 $0xFFFFF800  }
0x2c: {  	[spmem:s2] =	stream.indirect.scatter.add.f32 [tilespmem:s15], [sflag:$0x1], $0x10, s18, s14, $0xb8;
	[tilespmem:$0x7E30] =	vst v63  }
0x2d: {  	_ =	swait.ge [sflag:s12], $0x800  }
0x2e: {  	s18 =	smov.u32 s20;
	[sflag:s12] =	ssyncset.done $0x0  }
0x2f: {  	s17 =	sshra.s32 s17, $0x2;
	[sflag:s12] =	ssyncadd.s32 $0xFFFFF800  }
0x30: {  	[tilespmem:s15], [sflag:$0x1] =	stream.indirect.gather [spmem:s1], $0x10, s17, s14, $0xb8;
	[tilespmem:$0x7E30] =	vst v63  }
0x31: {  	_ =	swait.ge [sflag:s12], $0x800  }
0x32: {  	[sflag:s12] =	ssyncset.done $0x0  }
0x33: {  	s17 =	sadd.s32 $0x1400, s17;
	[sflag:s12] =	ssyncadd.s32 $0xFFFFF800  }
0x34: {  	[spmem:s2] =	stream.indirect.scatter.add.f32 [tilespmem:s15], [sflag:$0x1], $0x10, s17, s14, $0xb8;
	[tilespmem:$0x7E30] =	vst v63  }
0x35: {  	_ =	swait.ge [sflag:s12], $0x800  }
0x36: {  	[sflag:s12] =	ssyncset.done $0x0  }
0x37: {  	s16 =	sadd.s32 $0x1, s16;
	[sflag:s12] =	ssyncadd.s32 $0xFFFFF800  }
0x38: {  	p1 =	sne.s32 s16, s9;
	s17 =	simm.s32 @!p0 $0x1C01;
	[bflag:$0x0] =	sbarrier.arrive $0xFFFF  }
0x39: {  	[hbm:s8], [sflag:s17] =	dma.local @!p0 [spmem:s11], $0x4E20  }
.Ltmp1:
0x3a: {  	_ = 	snop;
	(pc) =	sbr.rel @p1 .LBB2_1-.Ltmp1, $4  }
0x3b: {  	s17 =	simm.s32 @!p0 $0x1  }
0x3c: {  	_ =	swait.ge @!p0 [sflag:s17], $0x4E20  }
0x3d: {  	[sflag:s17] =	ssyncset.done @!p0 $0x0  }
0x3e: {  	[sflag:s17] =	ssyncadd.s32 @!p0 $0xFFFFB1E0  }
0x3f: {  	_ =	sfence.sel $0x180000  }
0x40: {  	[bflag:$0x0] =	sbarrier.arrive $0xFFFF  }
0x41: {  	_ =	strace $0x90000047  }
0x42: {  	s0 =	sadd.s32 @!p0 $0x100000, s0;
	[bflag:$0x2] =	sbarrier.arrive $0xFFFF  }
0x43: {  	[sflag:s0] =	ssyncadd.tile.s32 @!p0 $0x1;
	_ =	shalt  }
.Lfunc_end2:
_tile_overlayer_lowered:
.L_overlay_start_2:
0x44: {  	(tag) =	ssettag $0x2  }
0x45: {  	s0 =	rddreg [dreg:$0x0];
	s2 =	stileid.u32  }
0x46: {  	s1 =	rddreg [dreg:$0x1];
	p0 =	sne.s32 s2, $0x0  }
0x47: {  	s3 =	rddreg [dreg:$0x2];
	[bflag:$0x3] =	sbarrier.arrive $0xFFFF;
	s2 =	simm.s32 @!p0 $0x1C01  }
0x48: {  	[timem:s3], [sflag:s2] =	dma.local @!p0 [hbm:s0], s1  }
0x49: {  	s0 =	simm.s32 @!p0 $0x1  }
0x4a: {  	_ =	swait.ge @!p0 [sflag:s0], s1  }
0x4b: {  	s1 =	ssub.s32 @!p0 $0x0, s1;
	[sflag:s0] =	ssyncset.done @!p0 $0x0  }
0x4c: {  	[sflag:s0] =	ssyncadd.s32 @!p0 s1  }
0x4d: {  	[bflag:$0x3] =	sbarrier.arrive $0xFFFF  }
0x4e: {  	_ =	shalt  }

</sc_bundles>
